<compile_context>
chip_gen: v7x
topology: tpu7x:2x2x1
jax: 0.10.2.dev20260603
libtpu: 0.0.44.dev20260713+nightly
codegen_flags: <defaults>
</compile_context>

<pallas_src>
import functools

import jax
import jax.numpy as jnp
from jax import lax
from jax.experimental import pallas as pl
from jax.experimental.pallas import tpu as pltpu
from jax.experimental.pallas import tpu_sc as plsc

NUM_EXPERTS = 16
TOP_K = 2
_NEG_INF = float("-inf")
TB = 1024
NW = 32
LANES = 16


def _gate_block(x_ref, w_ref, logits_ref):
    logits_ref[...] = lax.dot_general(
        w_ref[...], x_ref[...], (((1,), (1,)), ((), ())),
        preferred_element_type=jnp.float32)


def _sc_router(nt, logits_hbm, probs_hbm, tk_hbm, mask_hbm,
               lbuf, pbuf, tkbuf, mbuf):
    per_w = nt // NW
    w = lax.axis_index("s") * 2 + lax.axis_index("c")
    base = w * per_w
    pltpu.sync_copy(logits_hbm.at[:, pl.ds(base, per_w)], lbuf)
    zero = jnp.zeros((LANES,), jnp.float32)

    def body(c, carry):
        off = c * LANES
        vs = [lbuf[e, pl.ds(off, LANES)] for e in range(NUM_EXPERTS)]
        m1 = vs[0]
        i1 = jnp.zeros((LANES,), jnp.int32)
        for e in range(1, NUM_EXPERTS):
            gt = vs[e] > m1
            m1 = jnp.where(gt, vs[e], m1)
            i1 = jnp.where(gt, e, i1)
        m2 = jnp.full((LANES,), _NEG_INF, jnp.float32)
        i2 = jnp.zeros((LANES,), jnp.int32)
        for e in range(NUM_EXPERTS):
            cand = jnp.where(i1 == e, _NEG_INF, vs[e])
            gt = cand > m2
            m2 = jnp.where(gt, cand, m2)
            i2 = jnp.where(gt, e, i2)
        r = jnp.exp(m2 - m1)
        denom = 1.0 + r
        a = 1.0 / denom
        b = r / denom
        for e in range(NUM_EXPERTS):
            k1 = i1 == e
            k2 = i2 == e
            pbuf[e, pl.ds(off, LANES)] = jnp.where(k1, a, jnp.where(k2, b, zero))
            mbuf[0, e, pl.ds(off, LANES)] = jnp.where(k1, 1.0, 0.0)
            mbuf[1, e, pl.ds(off, LANES)] = jnp.where(k2, 1.0, 0.0)
        tkbuf[0, pl.ds(off, LANES)] = m1
        tkbuf[1, pl.ds(off, LANES)] = m2
        tkbuf[2, pl.ds(off, LANES)] = plsc.bitcast(i1, jnp.float32)
        tkbuf[3, pl.ds(off, LANES)] = plsc.bitcast(i2, jnp.float32)
        for row in range(4, 8):
            tkbuf[row, pl.ds(off, LANES)] = zero
        return carry

    lax.fori_loop(0, per_w // LANES, body, 0)
    pltpu.sync_copy(pbuf, probs_hbm.at[:, pl.ds(base, per_w)])
    pltpu.sync_copy(tkbuf, tk_hbm.at[:, pl.ds(base, per_w)])
    pltpu.sync_copy(mbuf, mask_hbm.at[:, :, pl.ds(base, per_w)])


def kernel(x, W_gate):
    Bsz, Tlen, D = x.shape
    E = W_gate.shape[0]
    nt = Bsz * Tlen
    xf = x.reshape(nt, D)
    grid = (nt // TB,)
    logitsT = pl.pallas_call(
        _gate_block,
        grid=grid,
        in_specs=[
            pl.BlockSpec((TB, D), lambda i: (i, 0)),
            pl.BlockSpec((E, D), lambda i: (0, 0)),
        ],
        out_specs=pl.BlockSpec((E, TB), lambda i: (0, i)),
        out_shape=jax.ShapeDtypeStruct((E, nt), jnp.float32),
        compiler_params=pltpu.CompilerParams(
            dimension_semantics=("parallel",)),
    )(xf, W_gate)

    per_w = nt // NW
    sc_fn = functools.partial(
        pl.kernel,
        out_type=[
            jax.ShapeDtypeStruct((E, nt), jnp.float32),
            jax.ShapeDtypeStruct((8, nt), jnp.float32),
            jax.ShapeDtypeStruct((TOP_K, E, nt), jnp.float32),
        ],
        mesh=plsc.VectorSubcoreMesh(core_axis_name="c", subcore_axis_name="s"),
        compiler_params=pltpu.CompilerParams(needs_layout_passes=False),
        scratch_types=[
            pltpu.VMEM((E, per_w), jnp.float32),
            pltpu.VMEM((E, per_w), jnp.float32),
            pltpu.VMEM((8, per_w), jnp.float32),
            pltpu.VMEM((TOP_K, E, per_w), jnp.float32),
        ],
    )(functools.partial(_sc_router, nt))
    probsT, tk, maskT = sc_fn(logitsT)

    probs = probsT.T.reshape(Bsz, Tlen, E)
    tkl = tk[0:TOP_K].T.reshape(Bsz, Tlen, TOP_K)
    tki = lax.bitcast_convert_type(
        tk[TOP_K:2 * TOP_K], jnp.int32).T.reshape(Bsz, Tlen, TOP_K)
    mask = maskT.transpose(0, 2, 1)
    return probs, tkl, tki, mask

# --- scband reference (transcript-rebuilt; emitter-appended) ---
"""Pipeline reference for scband-router-2723009265964 (READ-ONLY COPY).

The authoritative reference and input builder live on the scoring server;
editing this copy changes nothing except your own understanding.
"""

import jax, jax.numpy as jnp
import numpy as np

B = 4
T = 4096
N_EMBD = 2048
NUM_EXPERTS = 16
TOP_K = 2


def setup_inputs(seed: int = 0) -> dict:
    key = jax.random.key(seed)
    k1, k2 = jax.random.split(key)
    x = jax.random.normal(k1, (B, T, N_EMBD), dtype=jnp.float32)
    # gate weight, nn.Linear(n_embd, num_experts, bias=False) -> W: [num_experts, n_embd]
    W_gate = jax.random.normal(k2, (NUM_EXPERTS, N_EMBD), dtype=jnp.float32) * 0.02
    return {"x": x, "W_gate": W_gate}


def reference(x, W_gate):
    Bsz, Tlen, D = x.shape
    num_tokens = Bsz * Tlen
    # logits = self.gate(x)
    logits = jnp.einsum('btd,ed->bte', x, W_gate)
    # top-k selection over experts
    top_k_logits, top_k_indices = jax.lax.top_k(logits, TOP_K)
    # router_probs = full(-inf).scatter_(-1, top_k_indices, top_k_logits); softmax
    # equivalent: keep logits at top-k expert slots, -inf elsewhere
    one_hot = jax.nn.one_hot(top_k_indices, NUM_EXPERTS, dtype=logits.dtype)  # [B,T,k,E]
    keep = jnp.sum(one_hot, axis=-2) > 0  # [B,T,E]
    masked_logits = jnp.where(keep, logits, -jnp.inf)
    router_probs = jax.nn.softmax(masked_logits, axis=-1)
    # exp_mask = one_hot(top_k_indices).view(num_tokens, k, E).permute(1, 0, 2)
    exp_mask = one_hot.reshape(num_tokens, TOP_K, NUM_EXPERTS).transpose(1, 0, 2)
    return router_probs, top_k_logits, top_k_indices, exp_mask

if __name__ == "__main__":
    import jax
    _d = setup_inputs()
    print(jax.jit(kernel)(*tuple(_d.values())))

</pallas_src>

<mosaic_0001>
#map = affine_map<(d0, d1) -> (0, 0)>
#map1 = affine_map<(d0, d1) -> (0, 0, 0)>
module attributes {stable_mosaic.version = 14 : i64} {
  func.func @_sc_router(%arg0: i32, %arg1: i32, %arg2: memref<16x16384xf32, #tpu.memory_space<hbm>>, %arg3: memref<16x16384xf32, #tpu.memory_space<hbm>>, %arg4: memref<8x16384xf32, #tpu.memory_space<hbm>>, %arg5: memref<2x16x16384xf32, #tpu.memory_space<hbm>>, %arg6: memref<16x512xf32, #tpu.memory_space<vmem>>, %arg7: memref<16x512xf32, #tpu.memory_space<vmem>>, %arg8: memref<8x512xf32, #tpu.memory_space<vmem>>, %arg9: memref<2x16x512xf32, #tpu.memory_space<vmem>>) attributes {dimension_semantics = [#tpu.dimension_semantics<core_parallel>, #tpu.dimension_semantics<subcore_parallel>], iteration_bounds = array<i64: 2, 16>, scalar_prefetch = 0 : i64, scratch_operands = 4 : i64, tpu.core_type = #tpu.core_type<sc_vector_subcore>, window_params = [{transform_indices = #map}, {transform_indices = #map}, {transform_indices = #map}, {transform_indices = #map1}]} {
    %mul3A = arith.constant 2 : i32
    %mul3A_0 = arith.muli %arg1, %mul3A : i32
    %add3A = arith.addi %mul3A_0, %arg0 : i32
    %mul3A_1 = arith.constant 512 : i32
    %mul3A_2 = arith.muli %add3A, %mul3A_1 : i32
    "tpu.region"() ({
      %run_scoped3A = tpu.sem_alloc : memref<!tpu.dma_semaphore, #tpu.memory_space<semaphore_mem>>
      %dma_start3A = arith.constant 0 : i32
      %dma_start3A_9 = tpu.memref_slice %arg2[%dma_start3A, %mul3A_2] : memref<16x16384xf32, #tpu.memory_space<hbm>> -> memref<16x512xf32, #tpu.memory_space<hbm>>
      %dma_start3A_10 = arith.constant 0 : i32
      %dma_start3A_11 = tpu.memref_slice %arg2[%dma_start3A_10, %mul3A_2] : memref<16x16384xf32, #tpu.memory_space<hbm>> -> memref<16x512xf32, #tpu.memory_space<hbm>>
      tpu.enqueue_dma source(%dma_start3A_11 : memref<16x512xf32, #tpu.memory_space<hbm>>) target(%arg6 : memref<16x512xf32, #tpu.memory_space<vmem>>) target_semaphore(%run_scoped3A : memref<!tpu.dma_semaphore, #tpu.memory_space<semaphore_mem>>)
      %dma_wait3A = arith.constant 0 : i32
      %dma_wait3A_12 = tpu.memref_slice %arg2[%dma_wait3A, %mul3A_2] : memref<16x16384xf32, #tpu.memory_space<hbm>> -> memref<16x512xf32, #tpu.memory_space<hbm>>
      %dma_wait3A_13 = arith.constant 0 : i32
      %dma_wait3A_14 = tpu.memref_slice %arg2[%dma_wait3A_13, %mul3A_2] : memref<16x16384xf32, #tpu.memory_space<hbm>> -> memref<16x512xf32, #tpu.memory_space<hbm>>
      tpu.wait_dma2 semaphore(%run_scoped3A : memref<!tpu.dma_semaphore, #tpu.memory_space<semaphore_mem>>) src(%dma_wait3A_14 : memref<16x512xf32, #tpu.memory_space<hbm>>) dst(%arg6 : memref<16x512xf32, #tpu.memory_space<vmem>>)
      tpu.yield
    }) : () -> ()
    %broadcast_in_dim3A = arith.constant 0.000000e+00 : f32
    %broadcast_in_dim3A_3 = vector.broadcast %broadcast_in_dim3A : f32 to vector<16xf32>
    %scan3A = arith.constant 0 : i32
    %scan3A_4 = arith.constant 0 : i32
    %scan3A_5 = arith.constant 32 : i32
    %scan3A_6 = arith.addi %scan3A_4, %scan3A_5 : i32
    %scan3A_7 = arith.constant 1 : i32
    scf.for %scan3A_9 = %scan3A_4 to %scan3A_6 step %scan3A_7  : i32 {
      %mul3A_10 = arith.constant 16 : i32
      %mul3A_11 = arith.muli %scan3A_9, %mul3A_10 : i32
      %get3A = arith.constant 0 : i32
      %get3A_12 = arith.index_cast %get3A : i32 to index
      %get3A_13 = arith.index_cast %mul3A_11 : i32 to index
      %get3A_14 = tpu.vector_load %arg6[%get3A_12, %get3A_13] {strides = array<i32>} : memref<16x512xf32, #tpu.memory_space<vmem>>, vector<16xf32>,
      %get3A_15 = arith.constant 1 : i32
      %get3A_16 = arith.index_cast %get3A_15 : i32 to index
      %get3A_17 = arith.index_cast %mul3A_11 : i32 to index
      %get3A_18 = tpu.vector_load %arg6[%get3A_16, %get3A_17] {strides = array<i32>} : memref<16x512xf32, #tpu.memory_space<vmem>>, vector<16xf32>,
      %get3A_19 = arith.constant 2 : i32
      %get3A_20 = arith.index_cast %get3A_19 : i32 to index
      %get3A_21 = arith.index_cast %mul3A_11 : i32 to index
      %get3A_22 = tpu.vector_load %arg6[%get3A_20, %get3A_21] {strides = array<i32>} : memref<16x512xf32, #tpu.memory_space<vmem>>, vector<16xf32>,
      %get3A_23 = arith.constant 3 : i32
      %get3A_24 = arith.index_cast %get3A_23 : i32 to index
      %get3A_25 = arith.index_cast %mul3A_11 : i32 to index
      %get3A_26 = tpu.vector_load %arg6[%get3A_24, %get3A_25] {strides = array<i32>} : memref<16x512xf32, #tpu.memory_space<vmem>>, vector<16xf32>,
      %get3A_27 = arith.constant 4 : i32
      %get3A_28 = arith.index_cast %get3A_27 : i32 to index
      %get3A_29 = arith.index_cast %mul3A_11 : i32 to index
      %get3A_30 = tpu.vector_load %arg6[%get3A_28, %get3A_29] {strides = array<i32>} : memref<16x512xf32, #tpu.memory_space<vmem>>, vector<16xf32>,
      %get3A_31 = arith.constant 5 : i32
      %get3A_32 = arith.index_cast %get3A_31 : i32 to index
      %get3A_33 = arith.index_cast %mul3A_11 : i32 to index
      %get3A_34 = tpu.vector_load %arg6[%get3A_32, %get3A_33] {strides = array<i32>} : memref<16x512xf32, #tpu.memory_space<vmem>>, vector<16xf32>,
      %get3A_35 = arith.constant 6 : i32
      %get3A_36 = arith.index_cast %get3A_35 : i32 to index
      %get3A_37 = arith.index_cast %mul3A_11 : i32 to index
      %get3A_38 = tpu.vector_load %arg6[%get3A_36, %get3A_37] {strides = array<i32>} : memref<16x512xf32, #tpu.memory_space<vmem>>, vector<16xf32>,
      %get3A_39 = arith.constant 7 : i32
      %get3A_40 = arith.index_cast %get3A_39 : i32 to index
      %get3A_41 = arith.index_cast %mul3A_11 : i32 to index
      %get3A_42 = tpu.vector_load %arg6[%get3A_40, %get3A_41] {strides = array<i32>} : memref<16x512xf32, #tpu.memory_space<vmem>>, vector<16xf32>,
      %get3A_43 = arith.constant 8 : i32
      %get3A_44 = arith.index_cast %get3A_43 : i32 to index
      %get3A_45 = arith.index_cast %mul3A_11 : i32 to index
      %get3A_46 = tpu.vector_load %arg6[%get3A_44, %get3A_45] {strides = array<i32>} : memref<16x512xf32, #tpu.memory_space<vmem>>, vector<16xf32>,
      %get3A_47 = arith.constant 9 : i32
      %get3A_48 = arith.index_cast %get3A_47 : i32 to index
      %get3A_49 = arith.index_cast %mul3A_11 : i32 to index
      %get3A_50 = tpu.vector_load %arg6[%get3A_48, %get3A_49] {strides = array<i32>} : memref<16x512xf32, #tpu.memory_space<vmem>>, vector<16xf32>,
      %get3A_51 = arith.constant 10 : i32
      %get3A_52 = arith.index_cast %get3A_51 : i32 to index
      %get3A_53 = arith.index_cast %mul3A_11 : i32 to index
      %get3A_54 = tpu.vector_load %arg6[%get3A_52, %get3A_53] {strides = array<i32>} : memref<16x512xf32, #tpu.memory_space<vmem>>, vector<16xf32>,
      %get3A_55 = arith.constant 11 : i32
      %get3A_56 = arith.index_cast %get3A_55 : i32 to index
      %get3A_57 = arith.index_cast %mul3A_11 : i32 to index
      %get3A_58 = tpu.vector_load %arg6[%get3A_56, %get3A_57] {strides = array<i32>} : memref<16x512xf32, #tpu.memory_space<vmem>>, vector<16xf32>,
      %get3A_59 = arith.constant 12 : i32
      %get3A_60 = arith.index_cast %get3A_59 : i32 to index
      %get3A_61 = arith.index_cast %mul3A_11 : i32 to index
      %get3A_62 = tpu.vector_load %arg6[%get3A_60, %get3A_61] {strides = array<i32>} : memref<16x512xf32, #tpu.memory_space<vmem>>, vector<16xf32>,
      %get3A_63 = arith.constant 13 : i32
      %get3A_64 = arith.index_cast %get3A_63 : i32 to index
      %get3A_65 = arith.index_cast %mul3A_11 : i32 to index
      %get3A_66 = tpu.vector_load %arg6[%get3A_64, %get3A_65] {strides = array<i32>} : memref<16x512xf32, #tpu.memory_space<vmem>>, vector<16xf32>,
      %get3A_67 = arith.constant 14 : i32
      %get3A_68 = arith.index_cast %get3A_67 : i32 to index
      %get3A_69 = arith.index_cast %mul3A_11 : i32 to index
      %get3A_70 = tpu.vector_load %arg6[%get3A_68, %get3A_69] {strides = array<i32>} : memref<16x512xf32, #tpu.memory_space<vmem>>, vector<16xf32>,
      %get3A_71 = arith.constant 15 : i32
      %get3A_72 = arith.index_cast %get3A_71 : i32 to index
      %get3A_73 = arith.index_cast %mul3A_11 : i32 to index
      %get3A_74 = tpu.vector_load %arg6[%get3A_72, %get3A_73] {strides = array<i32>} : memref<16x512xf32, #tpu.memory_space<vmem>>, vector<16xf32>,
      %broadcast_in_dim3A_75 = arith.constant 0 : i32
      %broadcast_in_dim3A_76 = vector.broadcast %broadcast_in_dim3A_75 : i32 to vector<16xi32>
      %gt3A = arith.cmpf ogt, %get3A_18, %get3A_14 : vector<16xf32>
      %select_n3A = arith.select %gt3A, %get3A_18, %get3A_14 : vector<16xi1>, vector<16xf32>
      %jit3A = arith.constant 1 : i32
      %broadcast_in_dim3A_77 = vector.broadcast %jit3A : i32 to vector<16xi32>
      %select_n3A_78 = arith.select %gt3A, %broadcast_in_dim3A_77, %broadcast_in_dim3A_76 : vector<16xi1>, vector<16xi32>
      %gt3A_79 = arith.cmpf ogt, %get3A_22, %select_n3A : vector<16xf32>
      %select_n3A_80 = arith.select %gt3A_79, %get3A_22, %select_n3A : vector<16xi1>, vector<16xf32>
      %jit3A_81 = arith.constant 2 : i32
      %broadcast_in_dim3A_82 = vector.broadcast %jit3A_81 : i32 to vector<16xi32>
      %select_n3A_83 = arith.select %gt3A_79, %broadcast_in_dim3A_82, %select_n3A_78 : vector<16xi1>, vector<16xi32>
      %gt3A_84 = arith.cmpf ogt, %get3A_26, %select_n3A_80 : vector<16xf32>
      %select_n3A_85 = arith.select %gt3A_84, %get3A_26, %select_n3A_80 : vector<16xi1>, vector<16xf32>
      %jit3A_86 = arith.constant 3 : i32
      %broadcast_in_dim3A_87 = vector.broadcast %jit3A_86 : i32 to vector<16xi32>
      %select_n3A_88 = arith.select %gt3A_84, %broadcast_in_dim3A_87, %select_n3A_83 : vector<16xi1>, vector<16xi32>
      %gt3A_89 = arith.cmpf ogt, %get3A_30, %select_n3A_85 : vector<16xf32>
      %select_n3A_90 = arith.select %gt3A_89, %get3A_30, %select_n3A_85 : vector<16xi1>, vector<16xf32>
      %jit3A_91 = arith.constant 4 : i32
      %broadcast_in_dim3A_92 = vector.broadcast %jit3A_91 : i32 to vector<16xi32>
      %select_n3A_93 = arith.select %gt3A_89, %broadcast_in_dim3A_92, %select_n3A_88 : vector<16xi1>, vector<16xi32>
      %gt3A_94 = arith.cmpf ogt, %get3A_34, %select_n3A_90 : vector<16xf32>
      %select_n3A_95 = arith.select %gt3A_94, %get3A_34, %select_n3A_90 : vector<16xi1>, vector<16xf32>
      %jit3A_96 = arith.constant 5 : i32
      %broadcast_in_dim3A_97 = vector.broadcast %jit3A_96 : i32 to vector<16xi32>
      %select_n3A_98 = arith.select %gt3A_94, %broadcast_in_dim3A_97, %select_n3A_93 : vector<16xi1>, vector<16xi32>
      %gt3A_99 = arith.cmpf ogt, %get3A_38, %select_n3A_95 : vector<16xf32>
      %select_n3A_100 = arith.select %gt3A_99, %get3A_38, %select_n3A_95 : vector<16xi1>, vector<16xf32>
      %jit3A_101 = arith.constant 6 : i32
      %broadcast_in_dim3A_102 = vector.broadcast %jit3A_101 : i32 to vector<16xi32>
      %select_n3A_103 = arith.select %gt3A_99, %broadcast_in_dim3A_102, %select_n3A_98 : vector<16xi1>, vector<16xi32>
      %gt3A_104 = arith.cmpf ogt, %get3A_42, %select_n3A_100 : vector<16xf32>
      %select_n3A_105 = arith.select %gt3A_104, %get3A_42, %select_n3A_100 : vector<16xi1>, vector<16xf32>
      %jit3A_106 = arith.constant 7 : i32
      %broadcast_in_dim3A_107 = vector.broadcast %jit3A_106 : i32 to vector<16xi32>
      %select_n3A_108 = arith.select %gt3A_104, %broadcast_in_dim3A_107, %select_n3A_103 : vector<16xi1>, vector<16xi32>
      %gt3A_109 = arith.cmpf ogt, %get3A_46, %select_n3A_105 : vector<16xf32>
      %select_n3A_110 = arith.select %gt3A_109, %get3A_46, %select_n3A_105 : vector<16xi1>, vector<16xf32>
      %jit3A_111 = arith.constant 8 : i32
      %broadcast_in_dim3A_112 = vector.broadcast %jit3A_111 : i32 to vector<16xi32>
      %select_n3A_113 = arith.select %gt3A_109, %broadcast_in_dim3A_112, %select_n3A_108 : vector<16xi1>, vector<16xi32>
      %gt3A_114 = arith.cmpf ogt, %get3A_50, %select_n3A_110 : vector<16xf32>
      %select_n3A_115 = arith.select %gt3A_114, %get3A_50, %select_n3A_110 : vector<16xi1>, vector<16xf32>
      %jit3A_116 = arith.constant 9 : i32
      %broadcast_in_dim3A_117 = vector.broadcast %jit3A_116 : i32 to vector<16xi32>
      %select_n3A_118 = arith.select %gt3A_114, %broadcast_in_dim3A_117, %select_n3A_113 : vector<16xi1>, vector<16xi32>
      %gt3A_119 = arith.cmpf ogt, %get3A_54, %select_n3A_115 : vector<16xf32>
      %select_n3A_120 = arith.select %gt3A_119, %get3A_54, %select_n3A_115 : vector<16xi1>, vector<16xf32>
      %jit3A_121 = arith.constant 10 : i32
      %broadcast_in_dim3A_122 = vector.broadcast %jit3A_121 : i32 to vector<16xi32>
      %select_n3A_123 = arith.select %gt3A_119, %broadcast_in_dim3A_122, %select_n3A_118 : vector<16xi1>, vector<16xi32>
      %gt3A_124 = arith.cmpf ogt, %get3A_58, %select_n3A_120 : vector<16xf32>
      %select_n3A_125 = arith.select %gt3A_124, %get3A_58, %select_n3A_120 : vector<16xi1>, vector<16xf32>
      %jit3A_126 = arith.constant 11 : i32
      %broadcast_in_dim3A_127 = vector.broadcast %jit3A_126 : i32 to vector<16xi32>
      %select_n3A_128 = arith.select %gt3A_124, %broadcast_in_dim3A_127, %select_n3A_123 : vector<16xi1>, vector<16xi32>
      %gt3A_129 = arith.cmpf ogt, %get3A_62, %select_n3A_125 : vector<16xf32>
      %select_n3A_130 = arith.select %gt3A_129, %get3A_62, %select_n3A_125 : vector<16xi1>, vector<16xf32>
      %jit3A_131 = arith.constant 12 : i32
      %broadcast_in_dim3A_132 = vector.broadcast %jit3A_131 : i32 to vector<16xi32>
      %select_n3A_133 = arith.select %gt3A_129, %broadcast_in_dim3A_132, %select_n3A_128 : vector<16xi1>, vector<16xi32>
      %gt3A_134 = arith.cmpf ogt, %get3A_66, %select_n3A_130 : vector<16xf32>
      %select_n3A_135 = arith.select %gt3A_134, %get3A_66, %select_n3A_130 : vector<16xi1>, vector<16xf32>
      %jit3A_136 = arith.constant 13 : i32
      %broadcast_in_dim3A_137 = vector.broadcast %jit3A_136 : i32 to vector<16xi32>
      %select_n3A_138 = arith.select %gt3A_134, %broadcast_in_dim3A_137, %select_n3A_133 : vector<16xi1>, vector<16xi32>
      %gt3A_139 = arith.cmpf ogt, %get3A_70, %select_n3A_135 : vector<16xf32>
      %select_n3A_140 = arith.select %gt3A_139, %get3A_70, %select_n3A_135 : vector<16xi1>, vector<16xf32>
      %jit3A_141 = arith.constant 14 : i32
      %broadcast_in_dim3A_142 = vector.broadcast %jit3A_141 : i32 to vector<16xi32>
      %select_n3A_143 = arith.select %gt3A_139, %broadcast_in_dim3A_142, %select_n3A_138 : vector<16xi1>, vector<16xi32>
      %gt3A_144 = arith.cmpf ogt, %get3A_74, %select_n3A_140 : vector<16xf32>
      %select_n3A_145 = arith.select %gt3A_144, %get3A_74, %select_n3A_140 : vector<16xi1>, vector<16xf32>
      %jit3A_146 = arith.constant 15 : i32
      %broadcast_in_dim3A_147 = vector.broadcast %jit3A_146 : i32 to vector<16xi32>
      %select_n3A_148 = arith.select %gt3A_144, %broadcast_in_dim3A_147, %select_n3A_143 : vector<16xi1>, vector<16xi32>
      %broadcast_in_dim3A_149 = arith.constant 0xFF800000 : f32
      %broadcast_in_dim3A_150 = vector.broadcast %broadcast_in_dim3A_149 : f32 to vector<16xf32>
      %broadcast_in_dim3A_151 = arith.constant 0 : i32
      %broadcast_in_dim3A_152 = vector.broadcast %broadcast_in_dim3A_151 : i32 to vector<16xi32>
      %eq3A = arith.constant 0 : i32
      %eq3A_153 = vector.broadcast %eq3A : i32 to vector<16xi32>
      %eq3A_154 = arith.cmpi eq, %select_n3A_148, %eq3A_153 : vector<16xi32>
      %jit3A_155 = arith.constant 0xFF800000 : f32
      %broadcast_in_dim3A_156 = vector.broadcast %jit3A_155 : f32 to vector<16xf32>
      %select_n3A_157 = arith.select %eq3A_154, %broadcast_in_dim3A_156, %get3A_14 : vector<16xi1>, vector<16xf32>
      %gt3A_158 = arith.cmpf ogt, %select_n3A_157, %broadcast_in_dim3A_150 : vector<16xf32>
      %select_n3A_159 = arith.select %gt3A_158, %select_n3A_157, %broadcast_in_dim3A_150 : vector<16xi1>, vector<16xf32>
      %jit3A_160 = arith.constant 0 : i32
      %broadcast_in_dim3A_161 = vector.broadcast %jit3A_160 : i32 to vector<16xi32>
      %select_n3A_162 = arith.select %gt3A_158, %broadcast_in_dim3A_161, %broadcast_in_dim3A_152 : vector<16xi1>, vector<16xi32>
      %eq3A_163 = arith.constant 1 : i32
      %eq3A_164 = vector.broadcast %eq3A_163 : i32 to vector<16xi32>
      %eq3A_165 = arith.cmpi eq, %select_n3A_148, %eq3A_164 : vector<16xi32>
      %jit3A_166 = arith.constant 0xFF800000 : f32
      %broadcast_in_dim3A_167 = vector.broadcast %jit3A_166 : f32 to vector<16xf32>
      %select_n3A_168 = arith.select %eq3A_165, %broadcast_in_dim3A_167, %get3A_18 : vector<16xi1>, vector<16xf32>
      %gt3A_169 = arith.cmpf ogt, %select_n3A_168, %select_n3A_159 : vector<16xf32>
      %select_n3A_170 = arith.select %gt3A_169, %select_n3A_168, %select_n3A_159 : vector<16xi1>, vector<16xf32>
      %jit3A_171 = arith.constant 1 : i32
      %broadcast_in_dim3A_172 = vector.broadcast %jit3A_171 : i32 to vector<16xi32>
      %select_n3A_173 = arith.select %gt3A_169, %broadcast_in_dim3A_172, %select_n3A_162 : vector<16xi1>, vector<16xi32>
      %eq3A_174 = arith.constant 2 : i32
      %eq3A_175 = vector.broadcast %eq3A_174 : i32 to vector<16xi32>
      %eq3A_176 = arith.cmpi eq, %select_n3A_148, %eq3A_175 : vector<16xi32>
      %jit3A_177 = arith.constant 0xFF800000 : f32
      %broadcast_in_dim3A_178 = vector.broadcast %jit3A_177 : f32 to vector<16xf32>
      %select_n3A_179 = arith.select %eq3A_176, %broadcast_in_dim3A_178, %get3A_22 : vector<16xi1>, vector<16xf32>
      %gt3A_180 = arith.cmpf ogt, %select_n3A_179, %select_n3A_170 : vector<16xf32>
      %select_n3A_181 = arith.select %gt3A_180, %select_n3A_179, %select_n3A_170 : vector<16xi1>, vector<16xf32>
      %jit3A_182 = arith.constant 2 : i32
      %broadcast_in_dim3A_183 = vector.broadcast %jit3A_182 : i32 to vector<16xi32>
      %select_n3A_184 = arith.select %gt3A_180, %broadcast_in_dim3A_183, %select_n3A_173 : vector<16xi1>, vector<16xi32>
      %eq3A_185 = arith.constant 3 : i32
      %eq3A_186 = vector.broadcast %eq3A_185 : i32 to vector<16xi32>
      %eq3A_187 = arith.cmpi eq, %select_n3A_148, %eq3A_186 : vector<16xi32>
      %jit3A_188 = arith.constant 0xFF800000 : f32
      %broadcast_in_dim3A_189 = vector.broadcast %jit3A_188 : f32 to vector<16xf32>
      %select_n3A_190 = arith.select %eq3A_187, %broadcast_in_dim3A_189, %get3A_26 : vector<16xi1>, vector<16xf32>
      %gt3A_191 = arith.cmpf ogt, %select_n3A_190, %select_n3A_181 : vector<16xf32>
      %select_n3A_192 = arith.select %gt3A_191, %select_n3A_190, %select_n3A_181 : vector<16xi1>, vector<16xf32>
      %jit3A_193 = arith.constant 3 : i32
      %broadcast_in_dim3A_194 = vector.broadcast %jit3A_193 : i32 to vector<16xi32>
      %select_n3A_195 = arith.select %gt3A_191, %broadcast_in_dim3A_194, %select_n3A_184 : vector<16xi1>, vector<16xi32>
      %eq3A_196 = arith.constant 4 : i32
      %eq3A_197 = vector.broadcast %eq3A_196 : i32 to vector<16xi32>
      %eq3A_198 = arith.cmpi eq, %select_n3A_148, %eq3A_197 : vector<16xi32>
      %jit3A_199 = arith.constant 0xFF800000 : f32
      %broadcast_in_dim3A_200 = vector.broadcast %jit3A_199 : f32 to vector<16xf32>
      %select_n3A_201 = arith.select %eq3A_198, %broadcast_in_dim3A_200, %get3A_30 : vector<16xi1>, vector<16xf32>
      %gt3A_202 = arith.cmpf ogt, %select_n3A_201, %select_n3A_192 : vector<16xf32>
      %select_n3A_203 = arith.select %gt3A_202, %select_n3A_201, %select_n3A_192 : vector<16xi1>, vector<16xf32>
      %jit3A_204 = arith.constant 4 : i32
      %broadcast_in_dim3A_205 = vector.broadcast %jit3A_204 : i32 to vector<16xi32>
      %select_n3A_206 = arith.select %gt3A_202, %broadcast_in_dim3A_205, %select_n3A_195 : vector<16xi1>, vector<16xi32>
      %eq3A_207 = arith.constant 5 : i32
      %eq3A_208 = vector.broadcast %eq3A_207 : i32 to vector<16xi32>
      %eq3A_209 = arith.cmpi eq, %select_n3A_148, %eq3A_208 : vector<16xi32>
      %jit3A_210 = arith.constant 0xFF800000 : f32
      %broadcast_in_dim3A_211 = vector.broadcast %jit3A_210 : f32 to vector<16xf32>
      %select_n3A_212 = arith.select %eq3A_209, %broadcast_in_dim3A_211, %get3A_34 : vector<16xi1>, vector<16xf32>
      %gt3A_213 = arith.cmpf ogt, %select_n3A_212, %select_n3A_203 : vector<16xf32>
      %select_n3A_214 = arith.select %gt3A_213, %select_n3A_212, %select_n3A_203 : vector<16xi1>, vector<16xf32>
      %jit3A_215 = arith.constant 5 : i32
      %broadcast_in_dim3A_216 = vector.broadcast %jit3A_215 : i32 to vector<16xi32>
      %select_n3A_217 = arith.select %gt3A_213, %broadcast_in_dim3A_216, %select_n3A_206 : vector<16xi1>, vector<16xi32>
      %eq3A_218 = arith.constant 6 : i32
      %eq3A_219 = vector.broadcast %eq3A_218 : i32 to vector<16xi32>
      %eq3A_220 = arith.cmpi eq, %select_n3A_148, %eq3A_219 : vector<16xi32>
      %jit3A_221 = arith.constant 0xFF800000 : f32
      %broadcast_in_dim3A_222 = vector.broadcast %jit3A_221 : f32 to vector<16xf32>
      %select_n3A_223 = arith.select %eq3A_220, %broadcast_in_dim3A_222, %get3A_38 : vector<16xi1>, vector<16xf32>
      %gt3A_224 = arith.cmpf ogt, %select_n3A_223, %select_n3A_214 : vector<16xf32>
      %select_n3A_225 = arith.select %gt3A_224, %select_n3A_223, %select_n3A_214 : vector<16xi1>, vector<16xf32>
      %jit3A_226 = arith.constant 6 : i32
      %broadcast_in_dim3A_227 = vector.broadcast %jit3A_226 : i32 to vector<16xi32>
      %select_n3A_228 = arith.select %gt3A_224, %broadcast_in_dim3A_227, %select_n3A_217 : vector<16xi1>, vector<16xi32>
      %eq3A_229 = arith.constant 7 : i32
      %eq3A_230 = vector.broadcast %eq3A_229 : i32 to vector<16xi32>
      %eq3A_231 = arith.cmpi eq, %select_n3A_148, %eq3A_230 : vector<16xi32>
      %jit3A_232 = arith.constant 0xFF800000 : f32
      %broadcast_in_dim3A_233 = vector.broadcast %jit3A_232 : f32 to vector<16xf32>
      %select_n3A_234 = arith.select %eq3A_231, %broadcast_in_dim3A_233, %get3A_42 : vector<16xi1>, vector<16xf32>
      %gt3A_235 = arith.cmpf ogt, %select_n3A_234, %select_n3A_225 : vector<16xf32>
      %select_n3A_236 = arith.select %gt3A_235, %select_n3A_234, %select_n3A_225 : vector<16xi1>, vector<16xf32>
      %jit3A_237 = arith.constant 7 : i32
      %broadcast_in_dim3A_238 = vector.broadcast %jit3A_237 : i32 to vector<16xi32>
      %select_n3A_239 = arith.select %gt3A_235, %broadcast_in_dim3A_238, %select_n3A_228 : vector<16xi1>, vector<16xi32>
      %eq3A_240 = arith.constant 8 : i32
      %eq3A_241 = vector.broadcast %eq3A_240 : i32 to vector<16xi32>
      %eq3A_242 = arith.cmpi eq, %select_n3A_148, %eq3A_241 : vector<16xi32>
      %jit3A_243 = arith.constant 0xFF800000 : f32
      %broadcast_in_dim3A_244 = vector.broadcast %jit3A_243 : f32 to vector<16xf32>
      %select_n3A_245 = arith.select %eq3A_242, %broadcast_in_dim3A_244, %get3A_46 : vector<16xi1>, vector<16xf32>
      %gt3A_246 = arith.cmpf ogt, %select_n3A_245, %select_n3A_236 : vector<16xf32>
      %select_n3A_247 = arith.select %gt3A_246, %select_n3A_245, %select_n3A_236 : vector<16xi1>, vector<16xf32>
      %jit3A_248 = arith.constant 8 : i32
      %broadcast_in_dim3A_249 = vector.broadcast %jit3A_248 : i32 to vector<16xi32>
      %select_n3A_250 = arith.select %gt3A_246, %broadcast_in_dim3A_249, %select_n3A_239 : vector<16xi1>, vector<16xi32>
      %eq3A_251 = arith.constant 9 : i32
      %eq3A_252 = vector.broadcast %eq3A_251 : i32 to vector<16xi32>
      %eq3A_253 = arith.cmpi eq, %select_n3A_148, %eq3A_252 : vector<16xi32>
      %jit3A_254 = arith.constant 0xFF800000 : f32
      %broadcast_in_dim3A_255 = vector.broadcast %jit3A_254 : f32 to vector<16xf32>
      %select_n3A_256 = arith.select %eq3A_253, %broadcast_in_dim3A_255, %get3A_50 : vector<16xi1>, vector<16xf32>
      %gt3A_257 = arith.cmpf ogt, %select_n3A_256, %select_n3A_247 : vector<16xf32>
      %select_n3A_258 = arith.select %gt3A_257, %select_n3A_256, %select_n3A_247 : vector<16xi1>, vector<16xf32>
      %jit3A_259 = arith.constant 9 : i32
      %broadcast_in_dim3A_260 = vector.broadcast %jit3A_259 : i32 to vector<16xi32>
      %select_n3A_261 = arith.select %gt3A_257, %broadcast_in_dim3A_260, %select_n3A_250 : vector<16xi1>, vector<16xi32>
      %eq3A_262 = arith.constant 10 : i32
      %eq3A_263 = vector.broadcast %eq3A_262 : i32 to vector<16xi32>
      %eq3A_264 = arith.cmpi eq, %select_n3A_148, %eq3A_263 : vector<16xi32>
      %jit3A_265 = arith.constant 0xFF800000 : f32
      %broadcast_in_dim3A_266 = vector.broadcast %jit3A_265 : f32 to vector<16xf32>
      %select_n3A_267 = arith.select %eq3A_264, %broadcast_in_dim3A_266, %get3A_54 : vector<16xi1>, vector<16xf32>
      %gt3A_268 = arith.cmpf ogt, %select_n3A_267, %select_n3A_258 : vector<16xf32>
      %select_n3A_269 = arith.select %gt3A_268, %select_n3A_267, %select_n3A_258 : vector<16xi1>, vector<16xf32>
      %jit3A_270 = arith.constant 10 : i32
      %broadcast_in_dim3A_271 = vector.broadcast %jit3A_270 : i32 to vector<16xi32>
      %select_n3A_272 = arith.select %gt3A_268, %broadcast_in_dim3A_271, %select_n3A_261 : vector<16xi1>, vector<16xi32>
      %eq3A_273 = arith.constant 11 : i32
      %eq3A_274 = vector.broadcast %eq3A_273 : i32 to vector<16xi32>
      %eq3A_275 = arith.cmpi eq, %select_n3A_148, %eq3A_274 : vector<16xi32>
      %jit3A_276 = arith.constant 0xFF800000 : f32
      %broadcast_in_dim3A_277 = vector.broadcast %jit3A_276 : f32 to vector<16xf32>
      %select_n3A_278 = arith.select %eq3A_275, %broadcast_in_dim3A_277, %get3A_58 : vector<16xi1>, vector<16xf32>
      %gt3A_279 = arith.cmpf ogt, %select_n3A_278, %select_n3A_269 : vector<16xf32>
      %select_n3A_280 = arith.select %gt3A_279, %select_n3A_278, %select_n3A_269 : vector<16xi1>, vector<16xf32>
      %jit3A_281 = arith.constant 11 : i32
      %broadcast_in_dim3A_282 = vector.broadcast %jit3A_281 : i32 to vector<16xi32>
      %select_n3A_283 = arith.select %gt3A_279, %broadcast_in_dim3A_282, %select_n3A_272 : vector<16xi1>, vector<16xi32>
      %eq3A_284 = arith.constant 12 : i32
      %eq3A_285 = vector.broadcast %eq3A_284 : i32 to vector<16xi32>
      %eq3A_286 = arith.cmpi eq, %select_n3A_148, %eq3A_285 : vector<16xi32>
      %jit3A_287 = arith.constant 0xFF800000 : f32
      %broadcast_in_dim3A_288 = vector.broadcast %jit3A_287 : f32 to vector<16xf32>
      %select_n3A_289 = arith.select %eq3A_286, %broadcast_in_dim3A_288, %get3A_62 : vector<16xi1>, vector<16xf32>
      %gt3A_290 = arith.cmpf ogt, %select_n3A_289, %select_n3A_280 : vector<16xf32>
      %select_n3A_291 = arith.select %gt3A_290, %select_n3A_289, %select_n3A_280 : vector<16xi1>, vector<16xf32>
      %jit3A_292 = arith.constant 12 : i32
      %broadcast_in_dim3A_293 = vector.broadcast %jit3A_292 : i32 to vector<16xi32>
      %select_n3A_294 = arith.select %gt3A_290, %broadcast_in_dim3A_293, %select_n3A_283 : vector<16xi1>, vector<16xi32>
      %eq3A_295 = arith.constant 13 : i32
      %eq3A_296 = vector.broadcast %eq3A_295 : i32 to vector<16xi32>
      %eq3A_297 = arith.cmpi eq, %select_n3A_148, %eq3A_296 : vector<16xi32>
      %jit3A_298 = arith.constant 0xFF800000 : f32
      %broadcast_in_dim3A_299 = vector.broadcast %jit3A_298 : f32 to vector<16xf32>
      %select_n3A_300 = arith.select %eq3A_297, %broadcast_in_dim3A_299, %get3A_66 : vector<16xi1>, vector<16xf32>
      %gt3A_301 = arith.cmpf ogt, %select_n3A_300, %select_n3A_291 : vector<16xf32>
      %select_n3A_302 = arith.select %gt3A_301, %select_n3A_300, %select_n3A_291 : vector<16xi1>, vector<16xf32>
      %jit3A_303 = arith.constant 13 : i32
      %broadcast_in_dim3A_304 = vector.broadcast %jit3A_303 : i32 to vector<16xi32>
      %select_n3A_305 = arith.select %gt3A_301, %broadcast_in_dim3A_304, %select_n3A_294 : vector<16xi1>, vector<16xi32>
      %eq3A_306 = arith.constant 14 : i32
      %eq3A_307 = vector.broadcast %eq3A_306 : i32 to vector<16xi32>
      %eq3A_308 = arith.cmpi eq, %select_n3A_148, %eq3A_307 : vector<16xi32>
      %jit3A_309 = arith.constant 0xFF800000 : f32
      %broadcast_in_dim3A_310 = vector.broadcast %jit3A_309 : f32 to vector<16xf32>
      %select_n3A_311 = arith.select %eq3A_308, %broadcast_in_dim3A_310, %get3A_70 : vector<16xi1>, vector<16xf32>
      %gt3A_312 = arith.cmpf ogt, %select_n3A_311, %select_n3A_302 : vector<16xf32>
      %select_n3A_313 = arith.select %gt3A_312, %select_n3A_311, %select_n3A_302 : vector<16xi1>, vector<16xf32>
      %jit3A_314 = arith.constant 14 : i32
      %broadcast_in_dim3A_315 = vector.broadcast %jit3A_314 : i32 to vector<16xi32>
      %select_n3A_316 = arith.select %gt3A_312, %broadcast_in_dim3A_315, %select_n3A_305 : vector<16xi1>, vector<16xi32>
      %eq3A_317 = arith.constant 15 : i32
      %eq3A_318 = vector.broadcast %eq3A_317 : i32 to vector<16xi32>
      %eq3A_319 = arith.cmpi eq, %select_n3A_148, %eq3A_318 : vector<16xi32>
      %jit3A_320 = arith.constant 0xFF800000 : f32
      %broadcast_in_dim3A_321 = vector.broadcast %jit3A_320 : f32 to vector<16xf32>
      %select_n3A_322 = arith.select %eq3A_319, %broadcast_in_dim3A_321, %get3A_74 : vector<16xi1>, vector<16xf32>
      %gt3A_323 = arith.cmpf ogt, %select_n3A_322, %select_n3A_313 : vector<16xf32>
      %select_n3A_324 = arith.select %gt3A_323, %select_n3A_322, %select_n3A_313 : vector<16xi1>, vector<16xf32>
      %jit3A_325 = arith.constant 15 : i32
      %broadcast_in_dim3A_326 = vector.broadcast %jit3A_325 : i32 to vector<16xi32>
      %select_n3A_327 = arith.select %gt3A_323, %broadcast_in_dim3A_326, %select_n3A_316 : vector<16xi1>, vector<16xi32>
      %sub3A = arith.subf %select_n3A_324, %select_n3A_145 : vector<16xf32>
      %exp3A = math.exp %sub3A : vector<16xf32>
      %add3A_328 = arith.constant 1.000000e+00 : f32
      %add3A_329 = vector.broadcast %add3A_328 : f32 to vector<16xf32>
      %add3A_330 = arith.addf %add3A_329, %exp3A : vector<16xf32>
      %div3A = arith.constant 1.000000e+00 : f32
      %div3A_331 = vector.broadcast %div3A : f32 to vector<16xf32>
      %div3A_332 = arith.divf %div3A_331, %add3A_330 : vector<16xf32>
      %div3A_333 = arith.divf %exp3A, %add3A_330 : vector<16xf32>
      %eq3A_334 = arith.constant 0 : i32
      %eq3A_335 = vector.broadcast %eq3A_334 : i32 to vector<16xi32>
      %eq3A_336 = arith.cmpi eq, %select_n3A_148, %eq3A_335 : vector<16xi32>
      %eq3A_337 = arith.constant 0 : i32
      %eq3A_338 = vector.broadcast %eq3A_337 : i32 to vector<16xi32>
      %eq3A_339 = arith.cmpi eq, %select_n3A_327, %eq3A_338 : vector<16xi32>
      %select_n3A_340 = arith.select %eq3A_339, %div3A_333, %broadcast_in_dim3A_3 : vector<16xi1>, vector<16xf32>
      %select_n3A_341 = arith.select %eq3A_336, %div3A_332, %select_n3A_340 : vector<16xi1>, vector<16xf32>
      %swap3A = arith.constant 0 : i32
      %swap3A_342 = arith.index_cast %swap3A : i32 to index
      %swap3A_343 = arith.index_cast %mul3A_11 : i32 to index
      %swap3A_344 = tpu.vector_load %arg7[%swap3A_342, %swap3A_343] {strides = array<i32>} : memref<16x512xf32, #tpu.memory_space<vmem>>, vector<16xf32>,
      tpu.vector_store %arg7[%swap3A_342, %swap3A_343], %select_n3A_341 {strides = array<i32>} : memref<16x512xf32, #tpu.memory_space<vmem>>, vector<16xf32>,
      %jit3A_345 = arith.constant 1.000000e+00 : f32
      %jit3A_346 = arith.constant 0.000000e+00 : f32
      %broadcast_in_dim3A_347 = vector.broadcast %jit3A_345 : f32 to vector<16xf32>
      %broadcast_in_dim3A_348 = vector.broadcast %jit3A_346 : f32 to vector<16xf32>
      %select_n3A_349 = arith.select %eq3A_336, %broadcast_in_dim3A_347, %broadcast_in_dim3A_348 : vector<16xi1>, vector<16xf32>
      %swap3A_350 = arith.constant 0 : i32
      %swap3A_351 = arith.constant 0 : i32
      %swap3A_352 = arith.index_cast %swap3A_350 : i32 to index
      %swap3A_353 = arith.index_cast %swap3A_351 : i32 to index
      %swap3A_354 = arith.index_cast %mul3A_11 : i32 to index
      %swap3A_355 = tpu.vector_load %arg9[%swap3A_352, %swap3A_353, %swap3A_354] {strides = array<i32>} : memref<2x16x512xf32, #tpu.memory_space<vmem>>, vector<16xf32>,
      tpu.vector_store %arg9[%swap3A_352, %swap3A_353, %swap3A_354], %select_n3A_349 {strides = array<i32>} : memref<2x16x512xf32, #tpu.memory_space<vmem>>, vector<16xf32>,
      %jit3A_356 = arith.constant 1.000000e+00 : f32
      %jit3A_357 = arith.constant 0.000000e+00 : f32
      %broadcast_in_dim3A_358 = vector.broadcast %jit3A_356 : f32 to vector<16xf32>
      %broadcast_in_dim3A_359 = vector.broadcast %jit3A_357 : f32 to vector<16xf32>
      %select_n3A_360 = arith.select %eq3A_339, %broadcast_in_dim3A_358, %broadcast_in_dim3A_359 : vector<16xi1>, vector<16xf32>
      %swap3A_361 = arith.constant 1 : i32
      %swap3A_362 = arith.constant 0 : i32
      %swap3A_363 = arith.index_cast %swap3A_361 : i32 to index
      %swap3A_364 = arith.index_cast %swap3A_362 : i32 to index
      %swap3A_365 = arith.index_cast %mul3A_11 : i32 to index
      %swap3A_366 = tpu.vector_load %arg9[%swap3A_363, %swap3A_364, %swap3A_365] {strides = array<i32>} : memref<2x16x512xf32, #tpu.memory_space<vmem>>, vector<16xf32>,
      tpu.vector_store %arg9[%swap3A_363, %swap3A_364, %swap3A_365], %select_n3A_360 {strides = array<i32>} : memref<2x16x512xf32, #tpu.memory_space<vmem>>, vector<16xf32>,
      %eq3A_367 = arith.constant 1 : i32
      %eq3A_368 = vector.broadcast %eq3A_367 : i32 to vector<16xi32>
      %eq3A_369 = arith.cmpi eq, %select_n3A_148, %eq3A_368 : vector<16xi32>
      %eq3A_370 = arith.constant 1 : i32
      %eq3A_371 = vector.broadcast %eq3A_370 : i32 to vector<16xi32>
      %eq3A_372 = arith.cmpi eq, %select_n3A_327, %eq3A_371 : vector<16xi32>
      %select_n3A_373 = arith.select %eq3A_372, %div3A_333, %broadcast_in_dim3A_3 : vector<16xi1>, vector<16xf32>
      %select_n3A_374 = arith.select %eq3A_369, %div3A_332, %select_n3A_373 : vector<16xi1>, vector<16xf32>
      %swap3A_375 = arith.constant 1 : i32
      %swap3A_376 = arith.index_cast %swap3A_375 : i32 to index
      %swap3A_377 = arith.index_cast %mul3A_11 : i32 to index
      %swap3A_378 = tpu.vector_load %arg7[%swap3A_376, %swap3A_377] {strides = array<i32>} : memref<16x512xf32, #tpu.memory_space<vmem>>, vector<16xf32>,
      tpu.vector_store %arg7[%swap3A_376, %swap3A_377], %select_n3A_374 {strides = array<i32>} : memref<16x512xf32, #tpu.memory_space<vmem>>, vector<16xf32>,
      %jit3A_379 = arith.constant 1.000000e+00 : f32
      %jit3A_380 = arith.constant 0.000000e+00 : f32
      %broadcast_in_dim3A_381 = vector.broadcast %jit3A_379 : f32 to vector<16xf32>
      %broadcast_in_dim3A_382 = vector.broadcast %jit3A_380 : f32 to vector<16xf32>
      %select_n3A_383 = arith.select %eq3A_369, %broadcast_in_dim3A_381, %broadcast_in_dim3A_382 : vector<16xi1>, vector<16xf32>
      %swap3A_384 = arith.constant 0 : i32
      %swap3A_385 = arith.constant 1 : i32
      %swap3A_386 = arith.index_cast %swap3A_384 : i32 to index
      %swap3A_387 = arith.index_cast %swap3A_385 : i32 to index
      %swap3A_388 = arith.index_cast %mul3A_11 : i32 to index
      %swap3A_389 = tpu.vector_load %arg9[%swap3A_386, %swap3A_387, %swap3A_388] {strides = array<i32>} : memref<2x16x512xf32, #tpu.memory_space<vmem>>, vector<16xf32>,
      tpu.vector_store %arg9[%swap3A_386, %swap3A_387, %swap3A_388], %select_n3A_383 {strides = array<i32>} : memref<2x16x512xf32, #tpu.memory_space<vmem>>, vector<16xf32>,
      %jit3A_390 = arith.constant 1.000000e+00 : f32
      %jit3A_391 = arith.constant 0.000000e+00 : f32
      %broadcast_in_dim3A_392 = vector.broadcast %jit3A_390 : f32 to vector<16xf32>
      %broadcast_in_dim3A_393 = vector.broadcast %jit3A_391 : f32 to vector<16xf32>
      %select_n3A_394 = arith.select %eq3A_372, %broadcast_in_dim3A_392, %broadcast_in_dim3A_393 : vector<16xi1>, vector<16xf32>
      %swap3A_395 = arith.constant 1 : i32
      %swap3A_396 = arith.constant 1 : i32
      %swap3A_397 = arith.index_cast %swap3A_395 : i32 to index
      %swap3A_398 = arith.index_cast %swap3A_396 : i32 to index
      %swap3A_399 = arith.index_cast %mul3A_11 : i32 to index
      %swap3A_400 = tpu.vector_load %arg9[%swap3A_397, %swap3A_398, %swap3A_399] {strides = array<i32>} : memref<2x16x512xf32, #tpu.memory_space<vmem>>, vector<16xf32>,
      tpu.vector_store %arg9[%swap3A_397, %swap3A_398, %swap3A_399], %select_n3A_394 {strides = array<i32>} : memref<2x16x512xf32, #tpu.memory_space<vmem>>, vector<16xf32>,
      %eq3A_401 = arith.constant 2 : i32
      %eq3A_402 = vector.broadcast %eq3A_401 : i32 to vector<16xi32>
      %eq3A_403 = arith.cmpi eq, %select_n3A_148, %eq3A_402 : vector<16xi32>
      %eq3A_404 = arith.constant 2 : i32
      %eq3A_405 = vector.broadcast %eq3A_404 : i32 to vector<16xi32>
      %eq3A_406 = arith.cmpi eq, %select_n3A_327, %eq3A_405 : vector<16xi32>
      %select_n3A_407 = arith.select %eq3A_406, %div3A_333, %broadcast_in_dim3A_3 : vector<16xi1>, vector<16xf32>
      %select_n3A_408 = arith.select %eq3A_403, %div3A_332, %select_n3A_407 : vector<16xi1>, vector<16xf32>
      %swap3A_409 = arith.constant 2 : i32
      %swap3A_410 = arith.index_cast %swap3A_409 : i32 to index
      %swap3A_411 = arith.index_cast %mul3A_11 : i32 to index
      %swap3A_412 = tpu.vector_load %arg7[%swap3A_410, %swap3A_411] {strides = array<i32>} : memref<16x512xf32, #tpu.memory_space<vmem>>, vector<16xf32>,
      tpu.vector_store %arg7[%swap3A_410, %swap3A_411], %select_n3A_408 {strides = array<i32>} : memref<16x512xf32, #tpu.memory_space<vmem>>, vector<16xf32>,
      %jit3A_413 = arith.constant 1.000000e+00 : f32
      %jit3A_414 = arith.constant 0.000000e+00 : f32
      %broadcast_in_dim3A_415 = vector.broadcast %jit3A_413 : f32 to vector<16xf32>
      %broadcast_in_dim3A_416 = vector.broadcast %jit3A_414 : f32 to vector<16xf32>
      %select_n3A_417 = arith.select %eq3A_403, %broadcast_in_dim3A_415, %broadcast_in_dim3A_416 : vector<16xi1>, vector<16xf32>
      %swap3A_418 = arith.constant 0 : i32
      %swap3A_419 = arith.constant 2 : i32
      %swap3A_420 = arith.index_cast %swap3A_418 : i32 to index
      %swap3A_421 = arith.index_cast %swap3A_419 : i32 to index
      %swap3A_422 = arith.index_cast %mul3A_11 : i32 to index
      %swap3A_423 = tpu.vector_load %arg9[%swap3A_420, %swap3A_421, %swap3A_422] {strides = array<i32>} : memref<2x16x512xf32, #tpu.memory_space<vmem>>, vector<16xf32>,
      tpu.vector_store %arg9[%swap3A_420, %swap3A_421, %swap3A_422], %select_n3A_417 {strides = array<i32>} : memref<2x16x512xf32, #tpu.memory_space<vmem>>, vector<16xf32>,
      %jit3A_424 = arith.constant 1.000000e+00 : f32
      %jit3A_425 = arith.constant 0.000000e+00 : f32
      %broadcast_in_dim3A_426 = vector.broadcast %jit3A_424 : f32 to vector<16xf32>
      %broadcast_in_dim3A_427 = vector.broadcast %jit3A_425 : f32 to vector<16xf32>
      %select_n3A_428 = arith.select %eq3A_406, %broadcast_in_dim3A_426, %broadcast_in_dim3A_427 : vector<16xi1>, vector<16xf32>
      %swap3A_429 = arith.constant 1 : i32
      %swap3A_430 = arith.constant 2 : i32
      %swap3A_431 = arith.index_cast %swap3A_429 : i32 to index
      %swap3A_432 = arith.index_cast %swap3A_430 : i32 to index
      %swap3A_433 = arith.index_cast %mul3A_11 : i32 to index
      %swap3A_434 = tpu.vector_load %arg9[%swap3A_431, %swap3A_432, %swap3A_433] {strides = array<i32>} : memref<2x16x512xf32, #tpu.memory_space<vmem>>, vector<16xf32>,
      tpu.vector_store %arg9[%swap3A_431, %swap3A_432, %swap3A_433], %select_n3A_428 {strides = array<i32>} : memref<2x16x512xf32, #tpu.memory_space<vmem>>, vector<16xf32>,
      %eq3A_435 = arith.constant 3 : i32
      %eq3A_436 = vector.broadcast %eq3A_435 : i32 to vector<16xi32>
      %eq3A_437 = arith.cmpi eq, %select_n3A_148, %eq3A_436 : vector<16xi32>
      %eq3A_438 = arith.constant 3 : i32
      %eq3A_439 = vector.broadcast %eq3A_438 : i32 to vector<16xi32>
      %eq3A_440 = arith.cmpi eq, %select_n3A_327, %eq3A_439 : vector<16xi32>
      %select_n3A_441 = arith.select %eq3A_440, %div3A_333, %broadcast_in_dim3A_3 : vector<16xi1>, vector<16xf32>
      %select_n3A_442 = arith.select %eq3A_437, %div3A_332, %select_n3A_441 : vector<16xi1>, vector<16xf32>
      %swap3A_443 = arith.constant 3 : i32
      %swap3A_444 = arith.index_cast %swap3A_443 : i32 to index
      %swap3A_445 = arith.index_cast %mul3A_11 : i32 to index
      %swap3A_446 = tpu.vector_load %arg7[%swap3A_444, %swap3A_445] {strides = array<i32>} : memref<16x512xf32, #tpu.memory_space<vmem>>, vector<16xf32>,
      tpu.vector_store %arg7[%swap3A_444, %swap3A_445], %select_n3A_442 {strides = array<i32>} : memref<16x512xf32, #tpu.memory_space<vmem>>, vector<16xf32>,
      %jit3A_447 = arith.constant 1.000000e+00 : f32
      %jit3A_448 = arith.constant 0.000000e+00 : f32
      %broadcast_in_dim3A_449 = vector.broadcast %jit3A_447 : f32 to vector<16xf32>
      %broadcast_in_dim3A_450 = vector.broadcast %jit3A_448 : f32 to vector<16xf32>
      %select_n3A_451 = arith.select %eq3A_437, %broadcast_in_dim3A_449, %broadcast_in_dim3A_450 : vector<16xi1>, vector<16xf32>
      %swap3A_452 = arith.constant 0 : i32
      %swap3A_453 = arith.constant 3 : i32
      %swap3A_454 = arith.index_cast %swap3A_452 : i32 to index
      %swap3A_455 = arith.index_cast %swap3A_453 : i32 to index
      %swap3A_456 = arith.index_cast %mul3A_11 : i32 to index
      %swap3A_457 = tpu.vector_load %arg9[%swap3A_454, %swap3A_455, %swap3A_456] {strides = array<i32>} : memref<2x16x512xf32, #tpu.memory_space<vmem>>, vector<16xf32>,
      tpu.vector_store %arg9[%swap3A_454, %swap3A_455, %swap3A_456], %select_n3A_451 {strides = array<i32>} : memref<2x16x512xf32, #tpu.memory_space<vmem>>, vector<16xf32>,
      %jit3A_458 = arith.constant 1.000000e+00 : f32
      %jit3A_459 = arith.constant 0.000000e+00 : f32
      %broadcast_in_dim3A_460 = vector.broadcast %jit3A_458 : f32 to vector<16xf32>
      %broadcast_in_dim3A_461 = vector.broadcast %jit3A_459 : f32 to vector<16xf32>
      %select_n3A_462 = arith.select %eq3A_440, %broadcast_in_dim3A_460, %broadcast_in_dim3A_461 : vector<16xi1>, vector<16xf32>
      %swap3A_463 = arith.constant 1 : i32
      %swap3A_464 = arith.constant 3 : i32
      %swap3A_465 = arith.index_cast %swap3A_463 : i32 to index
      %swap3A_466 = arith.index_cast %swap3A_464 : i32 to index
      %swap3A_467 = arith.index_cast %mul3A_11 : i32 to index
      %swap3A_468 = tpu.vector_load %arg9[%swap3A_465, %swap3A_466, %swap3A_467] {strides = array<i32>} : memref<2x16x512xf32, #tpu.memory_space<vmem>>, vector<16xf32>,
      tpu.vector_store %arg9[%swap3A_465, %swap3A_466, %swap3A_467], %select_n3A_462 {strides = array<i32>} : memref<2x16x512xf32, #tpu.memory_space<vmem>>, vector<16xf32>,
      %eq3A_469 = arith.constant 4 : i32
      %eq3A_470 = vector.broadcast %eq3A_469 : i32 to vector<16xi32>
      %eq3A_471 = arith.cmpi eq, %select_n3A_148, %eq3A_470 : vector<16xi32>
      %eq3A_472 = arith.constant 4 : i32
      %eq3A_473 = vector.broadcast %eq3A_472 : i32 to vector<16xi32>
      %eq3A_474 = arith.cmpi eq, %select_n3A_327, %eq3A_473 : vector<16xi32>
      %select_n3A_475 = arith.select %eq3A_474, %div3A_333, %broadcast_in_dim3A_3 : vector<16xi1>, vector<16xf32>
      %select_n3A_476 = arith.select %eq3A_471, %div3A_332, %select_n3A_475 : vector<16xi1>, vector<16xf32>
      %swap3A_477 = arith.constant 4 : i32
      %swap3A_478 = arith.index_cast %swap3A_477 : i32 to index
      %swap3A_479 = arith.index_cast %mul3A_11 : i32 to index
      %swap3A_480 = tpu.vector_load %arg7[%swap3A_478, %swap3A_479] {strides = array<i32>} : memref<16x512xf32, #tpu.memory_space<vmem>>, vector<16xf32>,
      tpu.vector_store %arg7[%swap3A_478, %swap3A_479], %select_n3A_476 {strides = array<i32>} : memref<16x512xf32, #tpu.memory_space<vmem>>, vector<16xf32>,
      %jit3A_481 = arith.constant 1.000000e+00 : f32
      %jit3A_482 = arith.constant 0.000000e+00 : f32
      %broadcast_in_dim3A_483 = vector.broadcast %jit3A_481 : f32 to vector<16xf32>
      %broadcast_in_dim3A_484 = vector.broadcast %jit3A_482 : f32 to vector<16xf32>
      %select_n3A_485 = arith.select %eq3A_471, %broadcast_in_dim3A_483, %broadcast_in_dim3A_484 : vector<16xi1>, vector<16xf32>
      %swap3A_486 = arith.constant 0 : i32
      %swap3A_487 = arith.constant 4 : i32
      %swap3A_488 = arith.index_cast %swap3A_486 : i32 to index
      %swap3A_489 = arith.index_cast %swap3A_487 : i32 to index
      %swap3A_490 = arith.index_cast %mul3A_11 : i32 to index
      %swap3A_491 = tpu.vector_load %arg9[%swap3A_488, %swap3A_489, %swap3A_490] {strides = array<i32>} : memref<2x16x512xf32, #tpu.memory_space<vmem>>, vector<16xf32>,
      tpu.vector_store %arg9[%swap3A_488, %swap3A_489, %swap3A_490], %select_n3A_485 {strides = array<i32>} : memref<2x16x512xf32, #tpu.memory_space<vmem>>, vector<16xf32>,
      %jit3A_492 = arith.constant 1.000000e+00 : f32
      %jit3A_493 = arith.constant 0.000000e+00 : f32
      %broadcast_in_dim3A_494 = vector.broadcast %jit3A_492 : f32 to vector<16xf32>
      %broadcast_in_dim3A_495 = vector.broadcast %jit3A_493 : f32 to vector<16xf32>
      %select_n3A_496 = arith.select %eq3A_474, %broadcast_in_dim3A_494, %broadcast_in_dim3A_495 : vector<16xi1>, vector<16xf32>
      %swap3A_497 = arith.constant 1 : i32
      %swap3A_498 = arith.constant 4 : i32
      %swap3A_499 = arith.index_cast %swap3A_497 : i32 to index
      %swap3A_500 = arith.index_cast %swap3A_498 : i32 to index
      %swap3A_501 = arith.index_cast %mul3A_11 : i32 to index
      %swap3A_502 = tpu.vector_load %arg9[%swap3A_499, %swap3A_500, %swap3A_501] {strides = array<i32>} : memref<2x16x512xf32, #tpu.memory_space<vmem>>, vector<16xf32>,
      tpu.vector_store %arg9[%swap3A_499, %swap3A_500, %swap3A_501], %select_n3A_496 {strides = array<i32>} : memref<2x16x512xf32, #tpu.memory_space<vmem>>, vector<16xf32>,
      %eq3A_503 = arith.constant 5 : i32
      %eq3A_504 = vector.broadcast %eq3A_503 : i32 to vector<16xi32>
      %eq3A_505 = arith.cmpi eq, %select_n3A_148, %eq3A_504 : vector<16xi32>
      %eq3A_506 = arith.constant 5 : i32
      %eq3A_507 = vector.broadcast %eq3A_506 : i32 to vector<16xi32>
      %eq3A_508 = arith.cmpi eq, %select_n3A_327, %eq3A_507 : vector<16xi32>
      %select_n3A_509 = arith.select %eq3A_508, %div3A_333, %broadcast_in_dim3A_3 : vector<16xi1>, vector<16xf32>
      %select_n3A_510 = arith.select %eq3A_505, %div3A_332, %select_n3A_509 : vector<16xi1>, vector<16xf32>
      %swap3A_511 = arith.constant 5 : i32
      %swap3A_512 = arith.index_cast %swap3A_511 : i32 to index
      %swap3A_513 = arith.index_cast %mul3A_11 : i32 to index
      %swap3A_514 = tpu.vector_load %arg7[%swap3A_512, %swap3A_513] {strides = array<i32>} : memref<16x512xf32, #tpu.memory_space<vmem>>, vector<16xf32>,
      tpu.vector_store %arg7[%swap3A_512, %swap3A_513], %select_n3A_510 {strides = array<i32>} : memref<16x512xf32, #tpu.memory_space<vmem>>, vector<16xf32>,
      %jit3A_515 = arith.constant 1.000000e+00 : f32
      %jit3A_516 = arith.constant 0.000000e+00 : f32
      %broadcast_in_dim3A_517 = vector.broadcast %jit3A_515 : f32 to vector<16xf32>
      %broadcast_in_dim3A_518 = vector.broadcast %jit3A_516 : f32 to vector<16xf32>
      %select_n3A_519 = arith.select %eq3A_505, %broadcast_in_dim3A_517, %broadcast_in_dim3A_518 : vector<16xi1>, vector<16xf32>
      %swap3A_520 = arith.constant 0 : i32
      %swap3A_521 = arith.constant 5 : i32
      %swap3A_522 = arith.index_cast %swap3A_520 : i32 to index
      %swap3A_523 = arith.index_cast %swap3A_521 : i32 to index
      %swap3A_524 = arith.index_cast %mul3A_11 : i32 to index
      %swap3A_525 = tpu.vector_load %arg9[%swap3A_522, %swap3A_523, %swap3A_524] {strides = array<i32>} : memref<2x16x512xf32, #tpu.memory_space<vmem>>, vector<16xf32>,
      tpu.vector_store %arg9[%swap3A_522, %swap3A_523, %swap3A_524], %select_n3A_519 {strides = array<i32>} : memref<2x16x512xf32, #tpu.memory_space<vmem>>, vector<16xf32>,
      %jit3A_526 = arith.constant 1.000000e+00 : f32
      %jit3A_527 = arith.constant 0.000000e+00 : f32
      %broadcast_in_dim3A_528 = vector.broadcast %jit3A_526 : f32 to vector<16xf32>
      %broadcast_in_dim3A_529 = vector.broadcast %jit3A_527 : f32 to vector<16xf32>
      %select_n3A_530 = arith.select %eq3A_508, %broadcast_in_dim3A_528, %broadcast_in_dim3A_529 : vector<16xi1>, vector<16xf32>
      %swap3A_531 = arith.constant 1 : i32
      %swap3A_532 = arith.constant 5 : i32
      %swap3A_533 = arith.index_cast %swap3A_531 : i32 to index
      %swap3A_534 = arith.index_cast %swap3A_532 : i32 to index
      %swap3A_535 = arith.index_cast %mul3A_11 : i32 to index
      %swap3A_536 = tpu.vector_load %arg9[%swap3A_533, %swap3A_534, %swap3A_535] {strides = array<i32>} : memref<2x16x512xf32, #tpu.memory_space<vmem>>, vector<16xf32>,
      tpu.vector_store %arg9[%swap3A_533, %swap3A_534, %swap3A_535], %select_n3A_530 {strides = array<i32>} : memref<2x16x512xf32, #tpu.memory_space<vmem>>, vector<16xf32>,
      %eq3A_537 = arith.constant 6 : i32
      %eq3A_538 = vector.broadcast %eq3A_537 : i32 to vector<16xi32>
      %eq3A_539 = arith.cmpi eq, %select_n3A_148, %eq3A_538 : vector<16xi32>
      %eq3A_540 = arith.constant 6 : i32
      %eq3A_541 = vector.broadcast %eq3A_540 : i32 to vector<16xi32>
      %eq3A_542 = arith.cmpi eq, %select_n3A_327, %eq3A_541 : vector<16xi32>
      %select_n3A_543 = arith.select %eq3A_542, %div3A_333, %broadcast_in_dim3A_3 : vector<16xi1>, vector<16xf32>
      %select_n3A_544 = arith.select %eq3A_539, %div3A_332, %select_n3A_543 : vector<16xi1>, vector<16xf32>
      %swap3A_545 = arith.constant 6 : i32
      %swap3A_546 = arith.index_cast %swap3A_545 : i32 to index
      %swap3A_547 = arith.index_cast %mul3A_11 : i32 to index
      %swap3A_548 = tpu.vector_load %arg7[%swap3A_546, %swap3A_547] {strides = array<i32>} : memref<16x512xf32, #tpu.memory_space<vmem>>, vector<16xf32>,
      tpu.vector_store %arg7[%swap3A_546, %swap3A_547], %select_n3A_544 {strides = array<i32>} : memref<16x512xf32, #tpu.memory_space<vmem>>, vector<16xf32>,
      %jit3A_549 = arith.constant 1.000000e+00 : f32
      %jit3A_550 = arith.constant 0.000000e+00 : f32
      %broadcast_in_dim3A_551 = vector.broadcast %jit3A_549 : f32 to vector<16xf32>
      %broadcast_in_dim3A_552 = vector.broadcast %jit3A_550 : f32 to vector<16xf32>
      %select_n3A_553 = arith.select %eq3A_539, %broadcast_in_dim3A_551, %broadcast_in_dim3A_552 : vector<16xi1>, vector<16xf32>
      %swap3A_554 = arith.constant 0 : i32
      %swap3A_555 = arith.constant 6 : i32
      %swap3A_556 = arith.index_cast %swap3A_554 : i32 to index
      %swap3A_557 = arith.index_cast %swap3A_555 : i32 to index
      %swap3A_558 = arith.index_cast %mul3A_11 : i32 to index
      %swap3A_559 = tpu.vector_load %arg9[%swap3A_556, %swap3A_557, %swap3A_558] {strides = array<i32>} : memref<2x16x512xf32, #tpu.memory_space<vmem>>, vector<16xf32>,
      tpu.vector_store %arg9[%swap3A_556, %swap3A_557, %swap3A_558], %select_n3A_553 {strides = array<i32>} : memref<2x16x512xf32, #tpu.memory_space<vmem>>, vector<16xf32>,
      %jit3A_560 = arith.constant 1.000000e+00 : f32
      %jit3A_561 = arith.constant 0.000000e+00 : f32
      %broadcast_in_dim3A_562 = vector.broadcast %jit3A_560 : f32 to vector<16xf32>
      %broadcast_in_dim3A_563 = vector.broadcast %jit3A_561 : f32 to vector<16xf32>
      %select_n3A_564 = arith.select %eq3A_542, %broadcast_in_dim3A_562, %broadcast_in_dim3A_563 : vector<16xi1>, vector<16xf32>
      %swap3A_565 = arith.constant 1 : i32
      %swap3A_566 = arith.constant 6 : i32
      %swap3A_567 = arith.index_cast %swap3A_565 : i32 to index
      %swap3A_568 = arith.index_cast %swap3A_566 : i32 to index
      %swap3A_569 = arith.index_cast %mul3A_11 : i32 to index
      %swap3A_570 = tpu.vector_load %arg9[%swap3A_567, %swap3A_568, %swap3A_569] {strides = array<i32>} : memref<2x16x512xf32, #tpu.memory_space<vmem>>, vector<16xf32>,
      tpu.vector_store %arg9[%swap3A_567, %swap3A_568, %swap3A_569], %select_n3A_564 {strides = array<i32>} : memref<2x16x512xf32, #tpu.memory_space<vmem>>, vector<16xf32>,
      %eq3A_571 = arith.constant 7 : i32
      %eq3A_572 = vector.broadcast %eq3A_571 : i32 to vector<16xi32>
      %eq3A_573 = arith.cmpi eq, %select_n3A_148, %eq3A_572 : vector<16xi32>
      %eq3A_574 = arith.constant 7 : i32
      %eq3A_575 = vector.broadcast %eq3A_574 : i32 to vector<16xi32>
      %eq3A_576 = arith.cmpi eq, %select_n3A_327, %eq3A_575 : vector<16xi32>
      %select_n3A_577 = arith.select %eq3A_576, %div3A_333, %broadcast_in_dim3A_3 : vector<16xi1>, vector<16xf32>
      %select_n3A_578 = arith.select %eq3A_573, %div3A_332, %select_n3A_577 : vector<16xi1>, vector<16xf32>
      %swap3A_579 = arith.constant 7 : i32
      %swap3A_580 = arith.index_cast %swap3A_579 : i32 to index
      %swap3A_581 = arith.index_cast %mul3A_11 : i32 to index
      %swap3A_582 = tpu.vector_load %arg7[%swap3A_580, %swap3A_581] {strides = array<i32>} : memref<16x512xf32, #tpu.memory_space<vmem>>, vector<16xf32>,
      tpu.vector_store %arg7[%swap3A_580, %swap3A_581], %select_n3A_578 {strides = array<i32>} : memref<16x512xf32, #tpu.memory_space<vmem>>, vector<16xf32>,
      %jit3A_583 = arith.constant 1.000000e+00 : f32
      %jit3A_584 = arith.constant 0.000000e+00 : f32
      %broadcast_in_dim3A_585 = vector.broadcast %jit3A_583 : f32 to vector<16xf32>
      %broadcast_in_dim3A_586 = vector.broadcast %jit3A_584 : f32 to vector<16xf32>
      %select_n3A_587 = arith.select %eq3A_573, %broadcast_in_dim3A_585, %broadcast_in_dim3A_586 : vector<16xi1>, vector<16xf32>
      %swap3A_588 = arith.constant 0 : i32
      %swap3A_589 = arith.constant 7 : i32
      %swap3A_590 = arith.index_cast %swap3A_588 : i32 to index
      %swap3A_591 = arith.index_cast %swap3A_589 : i32 to index
      %swap3A_592 = arith.index_cast %mul3A_11 : i32 to index
      %swap3A_593 = tpu.vector_load %arg9[%swap3A_590, %swap3A_591, %swap3A_592] {strides = array<i32>} : memref<2x16x512xf32, #tpu.memory_space<vmem>>, vector<16xf32>,
      tpu.vector_store %arg9[%swap3A_590, %swap3A_591, %swap3A_592], %select_n3A_587 {strides = array<i32>} : memref<2x16x512xf32, #tpu.memory_space<vmem>>, vector<16xf32>,
      %jit3A_594 = arith.constant 1.000000e+00 : f32
      %jit3A_595 = arith.constant 0.000000e+00 : f32
      %broadcast_in_dim3A_596 = vector.broadcast %jit3A_594 : f32 to vector<16xf32>
      %broadcast_in_dim3A_597 = vector.broadcast %jit3A_595 : f32 to vector<16xf32>
      %select_n3A_598 = arith.select %eq3A_576, %broadcast_in_dim3A_596, %broadcast_in_dim3A_597 : vector<16xi1>, vector<16xf32>
      %swap3A_599 = arith.constant 1 : i32
      %swap3A_600 = arith.constant 7 : i32
      %swap3A_601 = arith.index_cast %swap3A_599 : i32 to index
      %swap3A_602 = arith.index_cast %swap3A_600 : i32 to index
      %swap3A_603 = arith.index_cast %mul3A_11 : i32 to index
      %swap3A_604 = tpu.vector_load %arg9[%swap3A_601, %swap3A_602, %swap3A_603] {strides = array<i32>} : memref<2x16x512xf32, #tpu.memory_space<vmem>>, vector<16xf32>,
      tpu.vector_store %arg9[%swap3A_601, %swap3A_602, %swap3A_603], %select_n3A_598 {strides = array<i32>} : memref<2x16x512xf32, #tpu.memory_space<vmem>>, vector<16xf32>,
      %eq3A_605 = arith.constant 8 : i32
      %eq3A_606 = vector.broadcast %eq3A_605 : i32 to vector<16xi32>
      %eq3A_607 = arith.cmpi eq, %select_n3A_148, %eq3A_606 : vector<16xi32>
      %eq3A_608 = arith.constant 8 : i32
      %eq3A_609 = vector.broadcast %eq3A_608 : i32 to vector<16xi32>
      %eq3A_610 = arith.cmpi eq, %select_n3A_327, %eq3A_609 : vector<16xi32>
      %select_n3A_611 = arith.select %eq3A_610, %div3A_333, %broadcast_in_dim3A_3 : vector<16xi1>, vector<16xf32>
      %select_n3A_612 = arith.select %eq3A_607, %div3A_332, %select_n3A_611 : vector<16xi1>, vector<16xf32>
      %swap3A_613 = arith.constant 8 : i32
      %swap3A_614 = arith.index_cast %swap3A_613 : i32 to index
      %swap3A_615 = arith.index_cast %mul3A_11 : i32 to index
      %swap3A_616 = tpu.vector_load %arg7[%swap3A_614, %swap3A_615] {strides = array<i32>} : memref<16x512xf32, #tpu.memory_space<vmem>>, vector<16xf32>,
      tpu.vector_store %arg7[%swap3A_614, %swap3A_615], %select_n3A_612 {strides = array<i32>} : memref<16x512xf32, #tpu.memory_space<vmem>>, vector<16xf32>,
      %jit3A_617 = arith.constant 1.000000e+00 : f32
      %jit3A_618 = arith.constant 0.000000e+00 : f32
      %broadcast_in_dim3A_619 = vector.broadcast %jit3A_617 : f32 to vector<16xf32>
      %broadcast_in_dim3A_620 = vector.broadcast %jit3A_618 : f32 to vector<16xf32>
      %select_n3A_621 = arith.select %eq3A_607, %broadcast_in_dim3A_619, %broadcast_in_dim3A_620 : vector<16xi1>, vector<16xf32>
      %swap3A_622 = arith.constant 0 : i32
      %swap3A_623 = arith.constant 8 : i32
      %swap3A_624 = arith.index_cast %swap3A_622 : i32 to index
      %swap3A_625 = arith.index_cast %swap3A_623 : i32 to index
      %swap3A_626 = arith.index_cast %mul3A_11 : i32 to index
      %swap3A_627 = tpu.vector_load %arg9[%swap3A_624, %swap3A_625, %swap3A_626] {strides = array<i32>} : memref<2x16x512xf32, #tpu.memory_space<vmem>>, vector<16xf32>,
      tpu.vector_store %arg9[%swap3A_624, %swap3A_625, %swap3A_626], %select_n3A_621 {strides = array<i32>} : memref<2x16x512xf32, #tpu.memory_space<vmem>>, vector<16xf32>,
      %jit3A_628 = arith.constant 1.000000e+00 : f32
      %jit3A_629 = arith.constant 0.000000e+00 : f32
      %broadcast_in_dim3A_630 = vector.broadcast %jit3A_628 : f32 to vector<16xf32>
      %broadcast_in_dim3A_631 = vector.broadcast %jit3A_629 : f32 to vector<16xf32>
      %select_n3A_632 = arith.select %eq3A_610, %broadcast_in_dim3A_630, %broadcast_in_dim3A_631 : vector<16xi1>, vector<16xf32>
      %swap3A_633 = arith.constant 1 : i32
      %swap3A_634 = arith.constant 8 : i32
      %swap3A_635 = arith.index_cast %swap3A_633 : i32 to index
      %swap3A_636 = arith.index_cast %swap3A_634 : i32 to index
      %swap3A_637 = arith.index_cast %mul3A_11 : i32 to index
      %swap3A_638 = tpu.vector_load %arg9[%swap3A_635, %swap3A_636, %swap3A_637] {strides = array<i32>} : memref<2x16x512xf32, #tpu.memory_space<vmem>>, vector<16xf32>,
      tpu.vector_store %arg9[%swap3A_635, %swap3A_636, %swap3A_637], %select_n3A_632 {strides = array<i32>} : memref<2x16x512xf32, #tpu.memory_space<vmem>>, vector<16xf32>,
      %eq3A_639 = arith.constant 9 : i32
      %eq3A_640 = vector.broadcast %eq3A_639 : i32 to vector<16xi32>
      %eq3A_641 = arith.cmpi eq, %select_n3A_148, %eq3A_640 : vector<16xi32>
      %eq3A_642 = arith.constant 9 : i32
      %eq3A_643 = vector.broadcast %eq3A_642 : i32 to vector<16xi32>
      %eq3A_644 = arith.cmpi eq, %select_n3A_327, %eq3A_643 : vector<16xi32>
      %select_n3A_645 = arith.select %eq3A_644, %div3A_333, %broadcast_in_dim3A_3 : vector<16xi1>, vector<16xf32>
      %select_n3A_646 = arith.select %eq3A_641, %div3A_332, %select_n3A_645 : vector<16xi1>, vector<16xf32>
      %swap3A_647 = arith.constant 9 : i32
      %swap3A_648 = arith.index_cast %swap3A_647 : i32 to index
      %swap3A_649 = arith.index_cast %mul3A_11 : i32 to index
      %swap3A_650 = tpu.vector_load %arg7[%swap3A_648, %swap3A_649] {strides = array<i32>} : memref<16x512xf32, #tpu.memory_space<vmem>>, vector<16xf32>,
      tpu.vector_store %arg7[%swap3A_648, %swap3A_649], %select_n3A_646 {strides = array<i32>} : memref<16x512xf32, #tpu.memory_space<vmem>>, vector<16xf32>,
      %jit3A_651 = arith.constant 1.000000e+00 : f32
      %jit3A_652 = arith.constant 0.000000e+00 : f32
      %broadcast_in_dim3A_653 = vector.broadcast %jit3A_651 : f32 to vector<16xf32>
      %broadcast_in_dim3A_654 = vector.broadcast %jit3A_652 : f32 to vector<16xf32>
      %select_n3A_655 = arith.select %eq3A_641, %broadcast_in_dim3A_653, %broadcast_in_dim3A_654 : vector<16xi1>, vector<16xf32>
      %swap3A_656 = arith.constant 0 : i32
      %swap3A_657 = arith.constant 9 : i32
      %swap3A_658 = arith.index_cast %swap3A_656 : i32 to index
      %swap3A_659 = arith.index_cast %swap3A_657 : i32 to index
      %swap3A_660 = arith.index_cast %mul3A_11 : i32 to index
      %swap3A_661 = tpu.vector_load %arg9[%swap3A_658, %swap3A_659, %swap3A_660] {strides = array<i32>} : memref<2x16x512xf32, #tpu.memory_space<vmem>>, vector<16xf32>,
      tpu.vector_store %arg9[%swap3A_658, %swap3A_659, %swap3A_660], %select_n3A_655 {strides = array<i32>} : memref<2x16x512xf32, #tpu.memory_space<vmem>>, vector<16xf32>,
      %jit3A_662 = arith.constant 1.000000e+00 : f32
      %jit3A_663 = arith.constant 0.000000e+00 : f32
      %broadcast_in_dim3A_664 = vector.broadcast %jit3A_662 : f32 to vector<16xf32>
      %broadcast_in_dim3A_665 = vector.broadcast %jit3A_663 : f32 to vector<16xf32>
      %select_n3A_666 = arith.select %eq3A_644, %broadcast_in_dim3A_664, %broadcast_in_dim3A_665 : vector<16xi1>, vector<16xf32>
      %swap3A_667 = arith.constant 1 : i32
      %swap3A_668 = arith.constant 9 : i32
      %swap3A_669 = arith.index_cast %swap3A_667 : i32 to index
      %swap3A_670 = arith.index_cast %swap3A_668 : i32 to index
      %swap3A_671 = arith.index_cast %mul3A_11 : i32 to index
      %swap3A_672 = tpu.vector_load %arg9[%swap3A_669, %swap3A_670, %swap3A_671] {strides = array<i32>} : memref<2x16x512xf32, #tpu.memory_space<vmem>>, vector<16xf32>,
      tpu.vector_store %arg9[%swap3A_669, %swap3A_670, %swap3A_671], %select_n3A_666 {strides = array<i32>} : memref<2x16x512xf32, #tpu.memory_space<vmem>>, vector<16xf32>,
      %eq3A_673 = arith.constant 10 : i32
      %eq3A_674 = vector.broadcast %eq3A_673 : i32 to vector<16xi32>
      %eq3A_675 = arith.cmpi eq, %select_n3A_148, %eq3A_674 : vector<16xi32>
      %eq3A_676 = arith.constant 10 : i32
      %eq3A_677 = vector.broadcast %eq3A_676 : i32 to vector<16xi32>
      %eq3A_678 = arith.cmpi eq, %select_n3A_327, %eq3A_677 : vector<16xi32>
      %select_n3A_679 = arith.select %eq3A_678, %div3A_333, %broadcast_in_dim3A_3 : vector<16xi1>, vector<16xf32>
      %select_n3A_680 = arith.select %eq3A_675, %div3A_332, %select_n3A_679 : vector<16xi1>, vector<16xf32>
      %swap3A_681 = arith.constant 10 : i32
      %swap3A_682 = arith.index_cast %swap3A_681 : i32 to index
      %swap3A_683 = arith.index_cast %mul3A_11 : i32 to index
      %swap3A_684 = tpu.vector_load %arg7[%swap3A_682, %swap3A_683] {strides = array<i32>} : memref<16x512xf32, #tpu.memory_space<vmem>>, vector<16xf32>,
      tpu.vector_store %arg7[%swap3A_682, %swap3A_683], %select_n3A_680 {strides = array<i32>} : memref<16x512xf32, #tpu.memory_space<vmem>>, vector<16xf32>,
      %jit3A_685 = arith.constant 1.000000e+00 : f32
      %jit3A_686 = arith.constant 0.000000e+00 : f32
      %broadcast_in_dim3A_687 = vector.broadcast %jit3A_685 : f32 to vector<16xf32>
      %broadcast_in_dim3A_688 = vector.broadcast %jit3A_686 : f32 to vector<16xf32>
      %select_n3A_689 = arith.select %eq3A_675, %broadcast_in_dim3A_687, %broadcast_in_dim3A_688 : vector<16xi1>, vector<16xf32>
      %swap3A_690 = arith.constant 0 : i32
      %swap3A_691 = arith.constant 10 : i32
      %swap3A_692 = arith.index_cast %swap3A_690 : i32 to index
      %swap3A_693 = arith.index_cast %swap3A_691 : i32 to index
      %swap3A_694 = arith.index_cast %mul3A_11 : i32 to index
      %swap3A_695 = tpu.vector_load %arg9[%swap3A_692, %swap3A_693, %swap3A_694] {strides = array<i32>} : memref<2x16x512xf32, #tpu.memory_space<vmem>>, vector<16xf32>,
      tpu.vector_store %arg9[%swap3A_692, %swap3A_693, %swap3A_694], %select_n3A_689 {strides = array<i32>} : memref<2x16x512xf32, #tpu.memory_space<vmem>>, vector<16xf32>,
      %jit3A_696 = arith.constant 1.000000e+00 : f32
      %jit3A_697 = arith.constant 0.000000e+00 : f32
      %broadcast_in_dim3A_698 = vector.broadcast %jit3A_696 : f32 to vector<16xf32>
      %broadcast_in_dim3A_699 = vector.broadcast %jit3A_697 : f32 to vector<16xf32>
      %select_n3A_700 = arith.select %eq3A_678, %broadcast_in_dim3A_698, %broadcast_in_dim3A_699 : vector<16xi1>, vector<16xf32>
      %swap3A_701 = arith.constant 1 : i32
      %swap3A_702 = arith.constant 10 : i32
      %swap3A_703 = arith.index_cast %swap3A_701 : i32 to index
      %swap3A_704 = arith.index_cast %swap3A_702 : i32 to index
      %swap3A_705 = arith.index_cast %mul3A_11 : i32 to index
      %swap3A_706 = tpu.vector_load %arg9[%swap3A_703, %swap3A_704, %swap3A_705] {strides = array<i32>} : memref<2x16x512xf32, #tpu.memory_space<vmem>>, vector<16xf32>,
      tpu.vector_store %arg9[%swap3A_703, %swap3A_704, %swap3A_705], %select_n3A_700 {strides = array<i32>} : memref<2x16x512xf32, #tpu.memory_space<vmem>>, vector<16xf32>,
      %eq3A_707 = arith.constant 11 : i32
      %eq3A_708 = vector.broadcast %eq3A_707 : i32 to vector<16xi32>
      %eq3A_709 = arith.cmpi eq, %select_n3A_148, %eq3A_708 : vector<16xi32>
      %eq3A_710 = arith.constant 11 : i32
      %eq3A_711 = vector.broadcast %eq3A_710 : i32 to vector<16xi32>
      %eq3A_712 = arith.cmpi eq, %select_n3A_327, %eq3A_711 : vector<16xi32>
      %select_n3A_713 = arith.select %eq3A_712, %div3A_333, %broadcast_in_dim3A_3 : vector<16xi1>, vector<16xf32>
      %select_n3A_714 = arith.select %eq3A_709, %div3A_332, %select_n3A_713 : vector<16xi1>, vector<16xf32>
      %swap3A_715 = arith.constant 11 : i32
      %swap3A_716 = arith.index_cast %swap3A_715 : i32 to index
      %swap3A_717 = arith.index_cast %mul3A_11 : i32 to index
      %swap3A_718 = tpu.vector_load %arg7[%swap3A_716, %swap3A_717] {strides = array<i32>} : memref<16x512xf32, #tpu.memory_space<vmem>>, vector<16xf32>,
      tpu.vector_store %arg7[%swap3A_716, %swap3A_717], %select_n3A_714 {strides = array<i32>} : memref<16x512xf32, #tpu.memory_space<vmem>>, vector<16xf32>,
      %jit3A_719 = arith.constant 1.000000e+00 : f32
      %jit3A_720 = arith.constant 0.000000e+00 : f32
      %broadcast_in_dim3A_721 = vector.broadcast %jit3A_719 : f32 to vector<16xf32>
      %broadcast_in_dim3A_722 = vector.broadcast %jit3A_720 : f32 to vector<16xf32>
      %select_n3A_723 = arith.select %eq3A_709, %broadcast_in_dim3A_721, %broadcast_in_dim3A_722 : vector<16xi1>, vector<16xf32>
      %swap3A_724 = arith.constant 0 : i32
      %swap3A_725 = arith.constant 11 : i32
      %swap3A_726 = arith.index_cast %swap3A_724 : i32 to index
      %swap3A_727 = arith.index_cast %swap3A_725 : i32 to index
      %swap3A_728 = arith.index_cast %mul3A_11 : i32 to index
      %swap3A_729 = tpu.vector_load %arg9[%swap3A_726, %swap3A_727, %swap3A_728] {strides = array<i32>} : memref<2x16x512xf32, #tpu.memory_space<vmem>>, vector<16xf32>,
      tpu.vector_store %arg9[%swap3A_726, %swap3A_727, %swap3A_728], %select_n3A_723 {strides = array<i32>} : memref<2x16x512xf32, #tpu.memory_space<vmem>>, vector<16xf32>,
      %jit3A_730 = arith.constant 1.000000e+00 : f32
      %jit3A_731 = arith.constant 0.000000e+00 : f32
      %broadcast_in_dim3A_732 = vector.broadcast %jit3A_730 : f32 to vector<16xf32>
      %broadcast_in_dim3A_733 = vector.broadcast %jit3A_731 : f32 to vector<16xf32>
      %select_n3A_734 = arith.select %eq3A_712, %broadcast_in_dim3A_732, %broadcast_in_dim3A_733 : vector<16xi1>, vector<16xf32>
      %swap3A_735 = arith.constant 1 : i32
      %swap3A_736 = arith.constant 11 : i32
      %swap3A_737 = arith.index_cast %swap3A_735 : i32 to index
      %swap3A_738 = arith.index_cast %swap3A_736 : i32 to index
      %swap3A_739 = arith.index_cast %mul3A_11 : i32 to index
      %swap3A_740 = tpu.vector_load %arg9[%swap3A_737, %swap3A_738, %swap3A_739] {strides = array<i32>} : memref<2x16x512xf32, #tpu.memory_space<vmem>>, vector<16xf32>,
      tpu.vector_store %arg9[%swap3A_737, %swap3A_738, %swap3A_739], %select_n3A_734 {strides = array<i32>} : memref<2x16x512xf32, #tpu.memory_space<vmem>>, vector<16xf32>,
      %eq3A_741 = arith.constant 12 : i32
      %eq3A_742 = vector.broadcast %eq3A_741 : i32 to vector<16xi32>
      %eq3A_743 = arith.cmpi eq, %select_n3A_148, %eq3A_742 : vector<16xi32>
      %eq3A_744 = arith.constant 12 : i32
      %eq3A_745 = vector.broadcast %eq3A_744 : i32 to vector<16xi32>
      %eq3A_746 = arith.cmpi eq, %select_n3A_327, %eq3A_745 : vector<16xi32>
      %select_n3A_747 = arith.select %eq3A_746, %div3A_333, %broadcast_in_dim3A_3 : vector<16xi1>, vector<16xf32>
      %select_n3A_748 = arith.select %eq3A_743, %div3A_332, %select_n3A_747 : vector<16xi1>, vector<16xf32>
      %swap3A_749 = arith.constant 12 : i32
      %swap3A_750 = arith.index_cast %swap3A_749 : i32 to index
      %swap3A_751 = arith.index_cast %mul3A_11 : i32 to index
      %swap3A_752 = tpu.vector_load %arg7[%swap3A_750, %swap3A_751] {strides = array<i32>} : memref<16x512xf32, #tpu.memory_space<vmem>>, vector<16xf32>,
      tpu.vector_store %arg7[%swap3A_750, %swap3A_751], %select_n3A_748 {strides = array<i32>} : memref<16x512xf32, #tpu.memory_space<vmem>>, vector<16xf32>,
      %jit3A_753 = arith.constant 1.000000e+00 : f32
      %jit3A_754 = arith.constant 0.000000e+00 : f32
      %broadcast_in_dim3A_755 = vector.broadcast %jit3A_753 : f32 to vector<16xf32>
      %broadcast_in_dim3A_756 = vector.broadcast %jit3A_754 : f32 to vector<16xf32>
      %select_n3A_757 = arith.select %eq3A_743, %broadcast_in_dim3A_755, %broadcast_in_dim3A_756 : vector<16xi1>, vector<16xf32>
      %swap3A_758 = arith.constant 0 : i32
      %swap3A_759 = arith.constant 12 : i32
      %swap3A_760 = arith.index_cast %swap3A_758 : i32 to index
      %swap3A_761 = arith.index_cast %swap3A_759 : i32 to index
      %swap3A_762 = arith.index_cast %mul3A_11 : i32 to index
      %swap3A_763 = tpu.vector_load %arg9[%swap3A_760, %swap3A_761, %swap3A_762] {strides = array<i32>} : memref<2x16x512xf32, #tpu.memory_space<vmem>>, vector<16xf32>,
      tpu.vector_store %arg9[%swap3A_760, %swap3A_761, %swap3A_762], %select_n3A_757 {strides = array<i32>} : memref<2x16x512xf32, #tpu.memory_space<vmem>>, vector<16xf32>,
      %jit3A_764 = arith.constant 1.000000e+00 : f32
      %jit3A_765 = arith.constant 0.000000e+00 : f32
      %broadcast_in_dim3A_766 = vector.broadcast %jit3A_764 : f32 to vector<16xf32>
      %broadcast_in_dim3A_767 = vector.broadcast %jit3A_765 : f32 to vector<16xf32>
      %select_n3A_768 = arith.select %eq3A_746, %broadcast_in_dim3A_766, %broadcast_in_dim3A_767 : vector<16xi1>, vector<16xf32>
      %swap3A_769 = arith.constant 1 : i32
      %swap3A_770 = arith.constant 12 : i32
      %swap3A_771 = arith.index_cast %swap3A_769 : i32 to index
      %swap3A_772 = arith.index_cast %swap3A_770 : i32 to index
      %swap3A_773 = arith.index_cast %mul3A_11 : i32 to index
      %swap3A_774 = tpu.vector_load %arg9[%swap3A_771, %swap3A_772, %swap3A_773] {strides = array<i32>} : memref<2x16x512xf32, #tpu.memory_space<vmem>>, vector<16xf32>,
      tpu.vector_store %arg9[%swap3A_771, %swap3A_772, %swap3A_773], %select_n3A_768 {strides = array<i32>} : memref<2x16x512xf32, #tpu.memory_space<vmem>>, vector<16xf32>,
      %eq3A_775 = arith.constant 13 : i32
      %eq3A_776 = vector.broadcast %eq3A_775 : i32 to vector<16xi32>
      %eq3A_777 = arith.cmpi eq, %select_n3A_148, %eq3A_776 : vector<16xi32>
      %eq3A_778 = arith.constant 13 : i32
      %eq3A_779 = vector.broadcast %eq3A_778 : i32 to vector<16xi32>
      %eq3A_780 = arith.cmpi eq, %select_n3A_327, %eq3A_779 : vector<16xi32>
      %select_n3A_781 = arith.select %eq3A_780, %div3A_333, %broadcast_in_dim3A_3 : vector<16xi1>, vector<16xf32>
      %select_n3A_782 = arith.select %eq3A_777, %div3A_332, %select_n3A_781 : vector<16xi1>, vector<16xf32>
      %swap3A_783 = arith.constant 13 : i32
      %swap3A_784 = arith.index_cast %swap3A_783 : i32 to index
      %swap3A_785 = arith.index_cast %mul3A_11 : i32 to index
      %swap3A_786 = tpu.vector_load %arg7[%swap3A_784, %swap3A_785] {strides = array<i32>} : memref<16x512xf32, #tpu.memory_space<vmem>>, vector<16xf32>,
      tpu.vector_store %arg7[%swap3A_784, %swap3A_785], %select_n3A_782 {strides = array<i32>} : memref<16x512xf32, #tpu.memory_space<vmem>>, vector<16xf32>,
      %jit3A_787 = arith.constant 1.000000e+00 : f32
      %jit3A_788 = arith.constant 0.000000e+00 : f32
      %broadcast_in_dim3A_789 = vector.broadcast %jit3A_787 : f32 to vector<16xf32>
      %broadcast_in_dim3A_790 = vector.broadcast %jit3A_788 : f32 to vector<16xf32>
      %select_n3A_791 = arith.select %eq3A_777, %broadcast_in_dim3A_789, %broadcast_in_dim3A_790 : vector<16xi1>, vector<16xf32>
      %swap3A_792 = arith.constant 0 : i32
      %swap3A_793 = arith.constant 13 : i32
      %swap3A_794 = arith.index_cast %swap3A_792 : i32 to index
      %swap3A_795 = arith.index_cast %swap3A_793 : i32 to index
      %swap3A_796 = arith.index_cast %mul3A_11 : i32 to index
      %swap3A_797 = tpu.vector_load %arg9[%swap3A_794, %swap3A_795, %swap3A_796] {strides = array<i32>} : memref<2x16x512xf32, #tpu.memory_space<vmem>>, vector<16xf32>,
      tpu.vector_store %arg9[%swap3A_794, %swap3A_795, %swap3A_796], %select_n3A_791 {strides = array<i32>} : memref<2x16x512xf32, #tpu.memory_space<vmem>>, vector<16xf32>,
      %jit3A_798 = arith.constant 1.000000e+00 : f32
      %jit3A_799 = arith.constant 0.000000e+00 : f32
      %broadcast_in_dim3A_800 = vector.broadcast %jit3A_798 : f32 to vector<16xf32>
      %broadcast_in_dim3A_801 = vector.broadcast %jit3A_799 : f32 to vector<16xf32>
      %select_n3A_802 = arith.select %eq3A_780, %broadcast_in_dim3A_800, %broadcast_in_dim3A_801 : vector<16xi1>, vector<16xf32>
      %swap3A_803 = arith.constant 1 : i32
      %swap3A_804 = arith.constant 13 : i32
      %swap3A_805 = arith.index_cast %swap3A_803 : i32 to index
      %swap3A_806 = arith.index_cast %swap3A_804 : i32 to index
      %swap3A_807 = arith.index_cast %mul3A_11 : i32 to index
      %swap3A_808 = tpu.vector_load %arg9[%swap3A_805, %swap3A_806, %swap3A_807] {strides = array<i32>} : memref<2x16x512xf32, #tpu.memory_space<vmem>>, vector<16xf32>,
      tpu.vector_store %arg9[%swap3A_805, %swap3A_806, %swap3A_807], %select_n3A_802 {strides = array<i32>} : memref<2x16x512xf32, #tpu.memory_space<vmem>>, vector<16xf32>,
      %eq3A_809 = arith.constant 14 : i32
      %eq3A_810 = vector.broadcast %eq3A_809 : i32 to vector<16xi32>
      %eq3A_811 = arith.cmpi eq, %select_n3A_148, %eq3A_810 : vector<16xi32>
      %eq3A_812 = arith.constant 14 : i32
      %eq3A_813 = vector.broadcast %eq3A_812 : i32 to vector<16xi32>
      %eq3A_814 = arith.cmpi eq, %select_n3A_327, %eq3A_813 : vector<16xi32>
      %select_n3A_815 = arith.select %eq3A_814, %div3A_333, %broadcast_in_dim3A_3 : vector<16xi1>, vector<16xf32>
      %select_n3A_816 = arith.select %eq3A_811, %div3A_332, %select_n3A_815 : vector<16xi1>, vector<16xf32>
      %swap3A_817 = arith.constant 14 : i32
      %swap3A_818 = arith.index_cast %swap3A_817 : i32 to index
      %swap3A_819 = arith.index_cast %mul3A_11 : i32 to index
      %swap3A_820 = tpu.vector_load %arg7[%swap3A_818, %swap3A_819] {strides = array<i32>} : memref<16x512xf32, #tpu.memory_space<vmem>>, vector<16xf32>,
      tpu.vector_store %arg7[%swap3A_818, %swap3A_819], %select_n3A_816 {strides = array<i32>} : memref<16x512xf32, #tpu.memory_space<vmem>>, vector<16xf32>,
      %jit3A_821 = arith.constant 1.000000e+00 : f32
      %jit3A_822 = arith.constant 0.000000e+00 : f32
      %broadcast_in_dim3A_823 = vector.broadcast %jit3A_821 : f32 to vector<16xf32>
      %broadcast_in_dim3A_824 = vector.broadcast %jit3A_822 : f32 to vector<16xf32>
      %select_n3A_825 = arith.select %eq3A_811, %broadcast_in_dim3A_823, %broadcast_in_dim3A_824 : vector<16xi1>, vector<16xf32>
      %swap3A_826 = arith.constant 0 : i32
      %swap3A_827 = arith.constant 14 : i32
      %swap3A_828 = arith.index_cast %swap3A_826 : i32 to index
      %swap3A_829 = arith.index_cast %swap3A_827 : i32 to index
      %swap3A_830 = arith.index_cast %mul3A_11 : i32 to index
      %swap3A_831 = tpu.vector_load %arg9[%swap3A_828, %swap3A_829, %swap3A_830] {strides = array<i32>} : memref<2x16x512xf32, #tpu.memory_space<vmem>>, vector<16xf32>,
      tpu.vector_store %arg9[%swap3A_828, %swap3A_829, %swap3A_830], %select_n3A_825 {strides = array<i32>} : memref<2x16x512xf32, #tpu.memory_space<vmem>>, vector<16xf32>,
      %jit3A_832 = arith.constant 1.000000e+00 : f32
      %jit3A_833 = arith.constant 0.000000e+00 : f32
      %broadcast_in_dim3A_834 = vector.broadcast %jit3A_832 : f32 to vector<16xf32>
      %broadcast_in_dim3A_835 = vector.broadcast %jit3A_833 : f32 to vector<16xf32>
      %select_n3A_836 = arith.select %eq3A_814, %broadcast_in_dim3A_834, %broadcast_in_dim3A_835 : vector<16xi1>, vector<16xf32>
      %swap3A_837 = arith.constant 1 : i32
      %swap3A_838 = arith.constant 14 : i32
      %swap3A_839 = arith.index_cast %swap3A_837 : i32 to index
      %swap3A_840 = arith.index_cast %swap3A_838 : i32 to index
      %swap3A_841 = arith.index_cast %mul3A_11 : i32 to index
      %swap3A_842 = tpu.vector_load %arg9[%swap3A_839, %swap3A_840, %swap3A_841] {strides = array<i32>} : memref<2x16x512xf32, #tpu.memory_space<vmem>>, vector<16xf32>,
      tpu.vector_store %arg9[%swap3A_839, %swap3A_840, %swap3A_841], %select_n3A_836 {strides = array<i32>} : memref<2x16x512xf32, #tpu.memory_space<vmem>>, vector<16xf32>,
      %eq3A_843 = arith.constant 15 : i32
      %eq3A_844 = vector.broadcast %eq3A_843 : i32 to vector<16xi32>
      %eq3A_845 = arith.cmpi eq, %select_n3A_148, %eq3A_844 : vector<16xi32>
      %eq3A_846 = arith.constant 15 : i32
      %eq3A_847 = vector.broadcast %eq3A_846 : i32 to vector<16xi32>
      %eq3A_848 = arith.cmpi eq, %select_n3A_327, %eq3A_847 : vector<16xi32>
      %select_n3A_849 = arith.select %eq3A_848, %div3A_333, %broadcast_in_dim3A_3 : vector<16xi1>, vector<16xf32>
      %select_n3A_850 = arith.select %eq3A_845, %div3A_332, %select_n3A_849 : vector<16xi1>, vector<16xf32>
      %swap3A_851 = arith.constant 15 : i32
      %swap3A_852 = arith.index_cast %swap3A_851 : i32 to index
      %swap3A_853 = arith.index_cast %mul3A_11 : i32 to index
      %swap3A_854 = tpu.vector_load %arg7[%swap3A_852, %swap3A_853] {strides = array<i32>} : memref<16x512xf32, #tpu.memory_space<vmem>>, vector<16xf32>,
      tpu.vector_store %arg7[%swap3A_852, %swap3A_853], %select_n3A_850 {strides = array<i32>} : memref<16x512xf32, #tpu.memory_space<vmem>>, vector<16xf32>,
      %jit3A_855 = arith.constant 1.000000e+00 : f32
      %jit3A_856 = arith.constant 0.000000e+00 : f32
      %broadcast_in_dim3A_857 = vector.broadcast %jit3A_855 : f32 to vector<16xf32>
      %broadcast_in_dim3A_858 = vector.broadcast %jit3A_856 : f32 to vector<16xf32>
      %select_n3A_859 = arith.select %eq3A_845, %broadcast_in_dim3A_857, %broadcast_in_dim3A_858 : vector<16xi1>, vector<16xf32>
      %swap3A_860 = arith.constant 0 : i32
      %swap3A_861 = arith.constant 15 : i32
      %swap3A_862 = arith.index_cast %swap3A_860 : i32 to index
      %swap3A_863 = arith.index_cast %swap3A_861 : i32 to index
      %swap3A_864 = arith.index_cast %mul3A_11 : i32 to index
      %swap3A_865 = tpu.vector_load %arg9[%swap3A_862, %swap3A_863, %swap3A_864] {strides = array<i32>} : memref<2x16x512xf32, #tpu.memory_space<vmem>>, vector<16xf32>,
      tpu.vector_store %arg9[%swap3A_862, %swap3A_863, %swap3A_864], %select_n3A_859 {strides = array<i32>} : memref<2x16x512xf32, #tpu.memory_space<vmem>>, vector<16xf32>,
      %jit3A_866 = arith.constant 1.000000e+00 : f32
      %jit3A_867 = arith.constant 0.000000e+00 : f32
      %broadcast_in_dim3A_868 = vector.broadcast %jit3A_866 : f32 to vector<16xf32>
      %broadcast_in_dim3A_869 = vector.broadcast %jit3A_867 : f32 to vector<16xf32>
      %select_n3A_870 = arith.select %eq3A_848, %broadcast_in_dim3A_868, %broadcast_in_dim3A_869 : vector<16xi1>, vector<16xf32>
      %swap3A_871 = arith.constant 1 : i32
      %swap3A_872 = arith.constant 15 : i32
      %swap3A_873 = arith.index_cast %swap3A_871 : i32 to index
      %swap3A_874 = arith.index_cast %swap3A_872 : i32 to index
      %swap3A_875 = arith.index_cast %mul3A_11 : i32 to index
      %swap3A_876 = tpu.vector_load %arg9[%swap3A_873, %swap3A_874, %swap3A_875] {strides = array<i32>} : memref<2x16x512xf32, #tpu.memory_space<vmem>>, vector<16xf32>,
      tpu.vector_store %arg9[%swap3A_873, %swap3A_874, %swap3A_875], %select_n3A_870 {strides = array<i32>} : memref<2x16x512xf32, #tpu.memory_space<vmem>>, vector<16xf32>,
      %swap3A_877 = arith.constant 0 : i32
      %swap3A_878 = arith.index_cast %swap3A_877 : i32 to index
      %swap3A_879 = arith.index_cast %mul3A_11 : i32 to index
      %swap3A_880 = tpu.vector_load %arg8[%swap3A_878, %swap3A_879] {strides = array<i32>} : memref<8x512xf32, #tpu.memory_space<vmem>>, vector<16xf32>,
      tpu.vector_store %arg8[%swap3A_878, %swap3A_879], %select_n3A_145 {strides = array<i32>} : memref<8x512xf32, #tpu.memory_space<vmem>>, vector<16xf32>,
      %swap3A_881 = arith.constant 1 : i32
      %swap3A_882 = arith.index_cast %swap3A_881 : i32 to index
      %swap3A_883 = arith.index_cast %mul3A_11 : i32 to index
      %swap3A_884 = tpu.vector_load %arg8[%swap3A_882, %swap3A_883] {strides = array<i32>} : memref<8x512xf32, #tpu.memory_space<vmem>>, vector<16xf32>,
      tpu.vector_store %arg8[%swap3A_882, %swap3A_883], %select_n3A_324 {strides = array<i32>} : memref<8x512xf32, #tpu.memory_space<vmem>>, vector<16xf32>,
      %bitcast3A = vector.bitcast %select_n3A_148 : vector<16xi32> to vector<16xf32>
      %swap3A_885 = arith.constant 2 : i32
      %swap3A_886 = arith.index_cast %swap3A_885 : i32 to index
      %swap3A_887 = arith.index_cast %mul3A_11 : i32 to index
      %swap3A_888 = tpu.vector_load %arg8[%swap3A_886, %swap3A_887] {strides = array<i32>} : memref<8x512xf32, #tpu.memory_space<vmem>>, vector<16xf32>,
      tpu.vector_store %arg8[%swap3A_886, %swap3A_887], %bitcast3A {strides = array<i32>} : memref<8x512xf32, #tpu.memory_space<vmem>>, vector<16xf32>,
      %bitcast3A_889 = vector.bitcast %select_n3A_327 : vector<16xi32> to vector<16xf32>
      %swap3A_890 = arith.constant 3 : i32
      %swap3A_891 = arith.index_cast %swap3A_890 : i32 to index
      %swap3A_892 = arith.index_cast %mul3A_11 : i32 to index
      %swap3A_893 = tpu.vector_load %arg8[%swap3A_891, %swap3A_892] {strides = array<i32>} : memref<8x512xf32, #tpu.memory_space<vmem>>, vector<16xf32>,
      tpu.vector_store %arg8[%swap3A_891, %swap3A_892], %bitcast3A_889 {strides = array<i32>} : memref<8x512xf32, #tpu.memory_space<vmem>>, vector<16xf32>,
      %swap3A_894 = arith.constant 4 : i32
      %swap3A_895 = arith.index_cast %swap3A_894 : i32 to index
      %swap3A_896 = arith.index_cast %mul3A_11 : i32 to index
      %swap3A_897 = tpu.vector_load %arg8[%swap3A_895, %swap3A_896] {strides = array<i32>} : memref<8x512xf32, #tpu.memory_space<vmem>>, vector<16xf32>,
      tpu.vector_store %arg8[%swap3A_895, %swap3A_896], %broadcast_in_dim3A_3 {strides = array<i32>} : memref<8x512xf32, #tpu.memory_space<vmem>>, vector<16xf32>,
      %swap3A_898 = arith.constant 5 : i32
      %swap3A_899 = arith.index_cast %swap3A_898 : i32 to index
      %swap3A_900 = arith.index_cast %mul3A_11 : i32 to index
      %swap3A_901 = tpu.vector_load %arg8[%swap3A_899, %swap3A_900] {strides = array<i32>} : memref<8x512xf32, #tpu.memory_space<vmem>>, vector<16xf32>,
      tpu.vector_store %arg8[%swap3A_899, %swap3A_900], %broadcast_in_dim3A_3 {strides = array<i32>} : memref<8x512xf32, #tpu.memory_space<vmem>>, vector<16xf32>,
      %swap3A_902 = arith.constant 6 : i32
      %swap3A_903 = arith.index_cast %swap3A_902 : i32 to index
      %swap3A_904 = arith.index_cast %mul3A_11 : i32 to index
      %swap3A_905 = tpu.vector_load %arg8[%swap3A_903, %swap3A_904] {strides = array<i32>} : memref<8x512xf32, #tpu.memory_space<vmem>>, vector<16xf32>,
      tpu.vector_store %arg8[%swap3A_903, %swap3A_904], %broadcast_in_dim3A_3 {strides = array<i32>} : memref<8x512xf32, #tpu.memory_space<vmem>>, vector<16xf32>,
      %swap3A_906 = arith.constant 7 : i32
      %swap3A_907 = arith.index_cast %swap3A_906 : i32 to index
      %swap3A_908 = arith.index_cast %mul3A_11 : i32 to index
      %swap3A_909 = tpu.vector_load %arg8[%swap3A_907, %swap3A_908] {strides = array<i32>} : memref<8x512xf32, #tpu.memory_space<vmem>>, vector<16xf32>,
      tpu.vector_store %arg8[%swap3A_907, %swap3A_908], %broadcast_in_dim3A_3 {strides = array<i32>} : memref<8x512xf32, #tpu.memory_space<vmem>>, vector<16xf32>,
    }
    %scan3A_8 = arith.constant 32 : i32
    "tpu.region"() ({
      %run_scoped3A = tpu.sem_alloc : memref<!tpu.dma_semaphore, #tpu.memory_space<semaphore_mem>>
      %dma_start3A = arith.constant 0 : i32
      %dma_start3A_9 = tpu.memref_slice %arg3[%dma_start3A, %mul3A_2] : memref<16x16384xf32, #tpu.memory_space<hbm>> -> memref<16x512xf32, #tpu.memory_space<hbm>>
      %dma_start3A_10 = arith.constant 0 : i32
      %dma_start3A_11 = tpu.memref_slice %arg3[%dma_start3A_10, %mul3A_2] : memref<16x16384xf32, #tpu.memory_space<hbm>> -> memref<16x512xf32, #tpu.memory_space<hbm>>
      tpu.enqueue_dma source(%arg7 : memref<16x512xf32, #tpu.memory_space<vmem>>) target(%dma_start3A_11 : memref<16x512xf32, #tpu.memory_space<hbm>>) target_semaphore(%run_scoped3A : memref<!tpu.dma_semaphore, #tpu.memory_space<semaphore_mem>>)
      %dma_wait3A = arith.constant 0 : i32
      %dma_wait3A_12 = tpu.memref_slice %arg3[%dma_wait3A, %mul3A_2] : memref<16x16384xf32, #tpu.memory_space<hbm>> -> memref<16x512xf32, #tpu.memory_space<hbm>>
      %dma_wait3A_13 = arith.constant 0 : i32
      %dma_wait3A_14 = tpu.memref_slice %arg3[%dma_wait3A_13, %mul3A_2] : memref<16x16384xf32, #tpu.memory_space<hbm>> -> memref<16x512xf32, #tpu.memory_space<hbm>>
      tpu.wait_dma2 semaphore(%run_scoped3A : memref<!tpu.dma_semaphore, #tpu.memory_space<semaphore_mem>>) src(%arg7 : memref<16x512xf32, #tpu.memory_space<vmem>>) dst(%dma_wait3A_14 : memref<16x512xf32, #tpu.memory_space<hbm>>)
      tpu.yield
    }) : () -> ()
    "tpu.region"() ({
      %run_scoped3A = tpu.sem_alloc : memref<!tpu.dma_semaphore, #tpu.memory_space<semaphore_mem>>
      %dma_start3A = arith.constant 0 : i32
      %dma_start3A_9 = tpu.memref_slice %arg4[%dma_start3A, %mul3A_2] : memref<8x16384xf32, #tpu.memory_space<hbm>> -> memref<8x512xf32, #tpu.memory_space<hbm>>
      %dma_start3A_10 = arith.constant 0 : i32
      %dma_start3A_11 = tpu.memref_slice %arg4[%dma_start3A_10, %mul3A_2] : memref<8x16384xf32, #tpu.memory_space<hbm>> -> memref<8x512xf32, #tpu.memory_space<hbm>>
      tpu.enqueue_dma source(%arg8 : memref<8x512xf32, #tpu.memory_space<vmem>>) target(%dma_start3A_11 : memref<8x512xf32, #tpu.memory_space<hbm>>) target_semaphore(%run_scoped3A : memref<!tpu.dma_semaphore, #tpu.memory_space<semaphore_mem>>)
      %dma_wait3A = arith.constant 0 : i32
      %dma_wait3A_12 = tpu.memref_slice %arg4[%dma_wait3A, %mul3A_2] : memref<8x16384xf32, #tpu.memory_space<hbm>> -> memref<8x512xf32, #tpu.memory_space<hbm>>
      %dma_wait3A_13 = arith.constant 0 : i32
      %dma_wait3A_14 = tpu.memref_slice %arg4[%dma_wait3A_13, %mul3A_2] : memref<8x16384xf32, #tpu.memory_space<hbm>> -> memref<8x512xf32, #tpu.memory_space<hbm>>
      tpu.wait_dma2 semaphore(%run_scoped3A : memref<!tpu.dma_semaphore, #tpu.memory_space<semaphore_mem>>) src(%arg8 : memref<8x512xf32, #tpu.memory_space<vmem>>) dst(%dma_wait3A_14 : memref<8x512xf32, #tpu.memory_space<hbm>>)
      tpu.yield
    }) : () -> ()
    "tpu.region"() ({
      %run_scoped3A = tpu.sem_alloc : memref<!tpu.dma_semaphore, #tpu.memory_space<semaphore_mem>>
      %dma_start3A = arith.constant 0 : i32
      %dma_start3A_9 = arith.constant 0 : i32
      %dma_start3A_10 = tpu.memref_slice %arg5[%dma_start3A, %dma_start3A_9, %mul3A_2] : memref<2x16x16384xf32, #tpu.memory_space<hbm>> -> memref<2x16x512xf32, #tpu.memory_space<hbm>>
      %dma_start3A_11 = arith.constant 0 : i32
      %dma_start3A_12 = arith.constant 0 : i32
      %dma_start3A_13 = tpu.memref_slice %arg5[%dma_start3A_11, %dma_start3A_12, %mul3A_2] : memref<2x16x16384xf32, #tpu.memory_space<hbm>> -> memref<2x16x512xf32, #tpu.memory_space<hbm>>
      tpu.enqueue_dma source(%arg9 : memref<2x16x512xf32, #tpu.memory_space<vmem>>) target(%dma_start3A_13 : memref<2x16x512xf32, #tpu.memory_space<hbm>>) target_semaphore(%run_scoped3A : memref<!tpu.dma_semaphore, #tpu.memory_space<semaphore_mem>>)
      %dma_wait3A = arith.constant 0 : i32
      %dma_wait3A_14 = arith.constant 0 : i32
      %dma_wait3A_15 = tpu.memref_slice %arg5[%dma_wait3A, %dma_wait3A_14, %mul3A_2] : memref<2x16x16384xf32, #tpu.memory_space<hbm>> -> memref<2x16x512xf32, #tpu.memory_space<hbm>>
      %dma_wait3A_16 = arith.constant 0 : i32
      %dma_wait3A_17 = arith.constant 0 : i32
      %dma_wait3A_18 = tpu.memref_slice %arg5[%dma_wait3A_16, %dma_wait3A_17, %mul3A_2] : memref<2x16x16384xf32, #tpu.memory_space<hbm>> -> memref<2x16x512xf32, #tpu.memory_space<hbm>>
      tpu.wait_dma2 semaphore(%run_scoped3A : memref<!tpu.dma_semaphore, #tpu.memory_space<semaphore_mem>>) src(%arg9 : memref<2x16x512xf32, #tpu.memory_space<vmem>>) dst(%dma_wait3A_18 : memref<2x16x512xf32, #tpu.memory_space<hbm>>)
      tpu.yield
    }) : () -> ()
    return
  }
}

module attributes {stable_mosaic.version = 14 : i64} {
  func.func @_gate_block(%arg0: i32, %arg1: memref<1024x2048xf32, #tpu.memory_space<vmem>>, %arg2: memref<16x2048xf32, #tpu.memory_space<vmem>>, %arg3: memref<16x1024xf32, #tpu.memory_space<vmem>>) attributes {dimension_semantics = [#tpu.dimension_semantics<parallel>], iteration_bounds = array<i64: 16>, scalar_prefetch = 0 : i64, scratch_operands = 0 : i64, tpu.core_type = #tpu.core_type<tc>, window_params = [{transform_indices = @transform_0, window_bounds = array<i64: 1024, 2048>}, {pipeline_mode = #tpu.pipeline_mode<synchronous>, transform_indices = @transform_1, window_bounds = array<i64: 16, 2048>}, {transform_indices = @transform_2, window_bounds = array<i64: 16, 1024>}]} {
    %get3A = arith.constant 0 : index
    %get3A_0 = arith.constant 0 : index
    %get3A_1 = vector.load %arg2[%get3A, %get3A_0] : memref<16x2048xf32, #tpu.memory_space<vmem>>, vector<16x2048xf32>
    %get3A_2 = arith.constant 0 : index
    %get3A_3 = arith.constant 0 : index
    %get3A_4 = vector.load %arg1[%get3A_2, %get3A_3] : memref<1024x2048xf32, #tpu.memory_space<vmem>>, vector<1024x2048xf32>
    %dot_general3A = arith.constant dense<0.000000e+00> : vector<16x1024xf32>
    %dot_general3A_5 = tpu.matmul %get3A_1, %get3A_4, %dot_general3A {dimension_numbers = #tpu.dot_dimension_numbers<[1], [1], [0], [0], [0, 0, 1, 0], [], []>, transpose_lhs_hint = false} : vector<16x2048xf32>, vector<1024x2048xf32>, vector<16x1024xf32> -> vector<16x1024xf32>
    %swap3A = arith.constant 0 : index
    %swap3A_6 = arith.constant 0 : index
    %swap3A_7 = vector.load %arg3[%swap3A, %swap3A_6] : memref<16x1024xf32, #tpu.memory_space<vmem>>, vector<16x1024xf32>
    tpu.vector_store %arg3[%swap3A, %swap3A_6], %dot_general3A_5 {strides = array<i32>} : memref<16x1024xf32, #tpu.memory_space<vmem>>, vector<16x1024xf32>,
    return
  }
  func.func @transform_0(%arg0: i32) -> (i32, i32) {
    %c0_i32 = arith.constant 0 : i32
    %c0_i32_0 = arith.constant 0 : i32
    return %arg0, %c0_i32 : i32, i32
  }
  func.func @transform_1(%arg0: i32) -> (i32, i32) {
    %c0_i32 = arith.constant 0 : i32
    %c0_i32_0 = arith.constant 0 : i32
    %c0_i32_1 = arith.constant 0 : i32
    return %c0_i32, %c0_i32_0 : i32, i32
  }
  func.func @transform_2(%arg0: i32) -> (i32, i32) {
    %c0_i32 = arith.constant 0 : i32
    %c0_i32_0 = arith.constant 0 : i32
    return %c0_i32, %arg0 : i32, i32
  }
}

</mosaic_0001>

<sc_bundles>
// kernel: kernel.4.cloned.1.call-start
scs
__scs_entry_jumppad:
0x0: {  	(pc) =	sbr.rel $0x88, $3  }
0x1: {  	(tag) =	ssettag $0x0;
	lr =	simm.s32 $0x1  }
0x2: {  	[smem:$0x3F9F] =	sst lr;
	_ =	strace $0xD0000000  }
0x3: {  	_ = 	snop  }
0x4: {  	_ = 	snop  }
0x5: {  	_ = 	snop  }
0x6: {  	_ = 	snop  }
0x7: {  	_ = 	snop  }
__scs_overlays_trampoline_lowered:
0x8: {  	[smem:$0x3FAE] =	sst s0  }
0x9: {  	[smem:$0x3FAF] =	sst s1  }
0xa: {  	[smem:$0x3FB0] =	sst s2  }
0xb: {  	[smem:$0x3FB1] =	sst s3  }
0xc: {  	[smem:$0x3FB2] =	sst s4  }
0xd: {  	[smem:$0x3FB3] =	sst s5  }
0xe: {  	[smem:$0x3FB4] =	sst s6  }
0xf: {  	[smem:$0x3FB5] =	sst s7  }
0x10: {  	[smem:$0x3FB6] =	sst s8  }
0x11: {  	[smem:$0x3FB7] =	sst s9;
	s0 =	simm.s32 @!p0 $0x0  }
0x12: {  	s1 =	sld [smem:$0x3F9D];
	s0 =	simm.s32 @p0 $0x1  }
0x13: {  	[smem:$0x3FB8] =	sst s0;
	s0 =	simm.s32 @!p1 $0x0  }
0x14: {  	s2 =	sld [smem:$0x3F9C];
	s0 =	simm.s32 @p1 $0x1  }
0x15: {  	[smem:$0x3FB9] =	sst s0;
	s0 =	simm.s32 @!p2 $0x0  }
0x16: {  	s3 =	sld [smem:$0x3FDB];
	s0 =	simm.s32 @p2 $0x1  }
0x17: {  	s4 =	simm.s32 $0x1BF5;
	[smem:$0x3FBB] =	sst s0  }
0x18: {  	s0 =	sld [smem:$0x3F9E];
	_ =	swait.ge [sflag:s4], $0x0  }
0x19: {  	s7 =	sld [smem:$0x3F9F]  }
0x1a: {  	s8 =	sadd.s32 $0xFFFFE003, lr  }
0x1b: {  	s9 =	sadd.s32 $0xFFFFFEF7, lr;
	s5 =	simm.s32 $0xFFFFFFFF;
	p2 =	slt.u32 s8, $0xFFFFF086  }
0x1c: {  	p1 =	slt.u32 s9, $0xF7A;
	s5 =	simm.s32 @!p2 $0x0  }
0x1d: {  	s5 =	simm.s32 @p1 $0x1;
	p0 =	seq.s32 s7, s2  }
0x1e: {  	s7 =	smul.u32 @!p0 $0xF7A, s2;
	p2 =	seq.s32 @!p0 s5, $0x0  }
0x1f: {  	s9 =	smul.u32 $0xF7A, s1;
	s8 =	simm.s32 @!p0 $0x1BF5;
	p2 =	por !p2, p0  }
0x20: {  	[sflag:s8] =	ssyncset.s32 @!p0 $0xFFFFF086;
	s6 =	sadd.s32 @!p0 s3, s7;
	s7 =	simm.s32 @!p0 $0x108  }
0x21: {  	s3 =	sadd.s32 s3, s9;
	s6 =	sadd.s32 @!p0 $0x88, s6;
	s7 =	simm.s32 @p2 $0x1082  }
0x22: {  	[simem:s7], [sflag:s8] =	dma.local @!p0 [hbm:s6], $0xF7A  }
0x23: {  	s9 =	sor.u32 $0xD0000000, s2;
	s6 =	simm.s32 $0x108;
	_ =	swait.ge @!p0 [sflag:s8], $0x0  }
0x24: {  	s3 =	sadd.s32 $0x88, s3;
	s6 =	simm.s32 @!p1 $0x1082;
	[sflag:s4] =	ssyncset.s32 $0xFFFFF086  }
0x25: {  	[simem:s6], [sflag:s4] =	dma.local [hbm:s3], $0xF7A  }
0x26: {  	[smem:$0x3F9F] =	sst s1;
	(tag) =	ssettag s2;
	_ =	strace s9  }
0x27: {  	s1 =	sld [smem:$0x3FAF]  }
0x28: {  	s2 =	sld [smem:$0x3FB0]  }
0x29: {  	s4 =	sld [smem:$0x3FB2]  }
0x2a: {  	p0 =	seq.s32 s5, $0x0;
	s5 =	sld [smem:$0x3FB3]  }
0x2b: {  	s6 =	sld [smem:$0x3FB4]  }
0x2c: {  	s7 =	sld [smem:$0x3FB5]  }
0x2d: {  	s3 =	simm.s32 $0x108;
	s8 =	sld [smem:$0x3FB6]  }
0x2e: {  	s3 =	simm.s32 @!p0 $0x1082;
	s9 =	sld [smem:$0x3FB7]  }
0x2f: {  	lr =	sadd.s32 s0, s3;
	s0 =	sld [smem:$0x3FAE]  }
0x30: {  	s3 =	sld [smem:$0x3FB1]  }
0x31: {  	[smem:$0x3FBA] =	sst s10  }
0x32: {  	s10 =	sld [smem:$0x3FB8];
	_ =	sdelay $0x3  }
0x33: {  	p0 =	seq.s32 s10, $0x1;
	s10 =	sld [smem:$0x3FBA];
	_ =	sdelay $0x3  }
0x34: {  	[smem:$0x3FBA] =	sst s10  }
0x35: {  	s10 =	sld [smem:$0x3FB9];
	_ =	sdelay $0x3  }
0x36: {  	p1 =	seq.s32 s10, $0x1;
	s10 =	sld [smem:$0x3FBA];
	_ =	sdelay $0x3  }
0x37: {  	[smem:$0x3FBA] =	sst s10  }
0x38: {  	s10 =	sld [smem:$0x3FBB]  }
0x39: {  	_ = 	snop;
	(pc) =	sbr.ind lr, $3  }
0x3a: {  	_ = 	snop  }
0x3b: {  	_ = 	snop  }
0x3c: {  	p2 =	seq.s32 s10, $0x1;
	s10 =	sld [smem:$0x3FBA]  }
0x3d: {  	_ =	shalt  }
0x3e: {  	_ =	shalt  }
0x3f: {  	_ =	shalt  }
0x40: {  	_ =	shalt  }
0x41: {  	_ =	shalt  }
0x42: {  	_ =	shalt  }
0x43: {  	_ =	shalt  }
0x44: {  	_ =	shalt  }
0x45: {  	_ =	shalt  }
0x46: {  	_ =	shalt  }
0x47: {  	_ =	shalt  }
0x48: {  	_ =	shalt  }
0x49: {  	_ =	shalt  }
0x4a: {  	_ =	shalt  }
0x4b: {  	_ =	shalt  }
0x4c: {  	_ =	shalt  }
0x4d: {  	_ =	shalt  }
0x4e: {  	_ =	shalt  }
0x4f: {  	_ =	shalt  }
0x50: {  	_ =	shalt  }
0x51: {  	_ =	shalt  }
0x52: {  	_ =	shalt  }
0x53: {  	_ =	shalt  }
0x54: {  	_ =	shalt  }
0x55: {  	_ =	shalt  }
0x56: {  	_ =	shalt  }
0x57: {  	_ =	shalt  }
0x58: {  	_ =	shalt  }
0x59: {  	_ =	shalt  }
0x5a: {  	_ =	shalt  }
0x5b: {  	_ =	shalt  }
0x5c: {  	_ =	shalt  }
0x5d: {  	_ =	shalt  }
0x5e: {  	_ =	shalt  }
0x5f: {  	_ =	shalt  }
0x60: {  	_ =	shalt  }
0x61: {  	_ =	shalt  }
0x62: {  	_ =	shalt  }
0x63: {  	_ =	shalt  }
0x64: {  	_ =	shalt  }
0x65: {  	_ =	shalt  }
0x66: {  	_ =	shalt  }
0x67: {  	_ =	shalt  }
0x68: {  	_ =	shalt  }
0x69: {  	_ =	shalt  }
0x6a: {  	_ =	shalt  }
0x6b: {  	_ =	shalt  }
0x6c: {  	_ =	shalt  }
0x6d: {  	_ =	shalt  }
0x6e: {  	_ =	shalt  }
0x6f: {  	_ =	shalt  }
0x70: {  	_ =	shalt  }
0x71: {  	_ =	shalt  }
0x72: {  	_ =	shalt  }
0x73: {  	_ =	shalt  }
0x74: {  	_ =	shalt  }
0x75: {  	_ =	shalt  }
0x76: {  	_ =	shalt  }
0x77: {  	_ =	shalt  }
0x78: {  	_ =	shalt  }
0x79: {  	_ =	shalt  }
0x7a: {  	_ =	shalt  }
0x7b: {  	_ =	shalt  }
0x7c: {  	_ =	shalt  }
0x7d: {  	_ =	shalt  }
0x7e: {  	_ =	shalt  }
0x7f: {  	_ =	shalt  }
0x80: {  	_ =	shalt  }
0x81: {  	_ =	shalt  }
0x82: {  	_ =	shalt  }
0x83: {  	_ =	shalt  }
0x84: {  	_ =	shalt  }
0x85: {  	_ =	shalt  }
0x86: {  	_ =	shalt  }
0x87: {  	_ =	shalt  }
.Lfunc_end0:
.L_simem_size_0:
called_computation_lowered:
.L_overlay_start_0:
0x88: {  	s2 =	sld [smem:$0x3FD9]  }
0x89: {  	s3 =	sld [smem:$0x3FFE];
	_ =	sdelay $0x1  }
0x8a: {  	s1 =	srdreg.scid  }
0x8b: {  	s0 =	sand.u32 $0x1, s1  }
0x8c: {  	s14 =	sshll.u32 s0, $0xA;
	s2 =	sadd.s32 s3, s2  }
0x8d: {  	s2 =	sadd.s32 s2, s14  }
0x8e: {  	[smem:$0x3FC6] =	sst s2  }
0x8f: {  	_ = 	snop  }
0x90: {  	s2 =	sld [smem:$0x3FD0];
	_ =	sdelay $0x2  }
0x91: {  	s15 =	simm.s32 $0xA;
	s4 =	simm.s32 $0x10  }
0x92: {  	[smem:s4], [sflag:s15] =	dma.local [hbm:s2], $0x1  }
0x93: {  	_ =	swait.eq [sflag:s15], $0x1  }
0x94: {  	[sflag:s15] =	ssyncset.done $0x0  }
0x95: {  	s16 =	sld [smem:$0x10];
	[sflag:s15] =	ssyncadd.s32 $0xFFFFFFFF  }
0x96: {  	s17 =	sld [smem:$0x13];
	(tm) =	ssettm $0x1  }
0x97: {  	s18 =	sld [smem:$0x3FFB];
	_ =	sdelay $0x3  }
0x98: {  	_ =	strace s18  }
0x99: {  	s4 =	sld [smem:$0x3FFC];
	_ =	sdelay $0x3  }
0x9a: {  	_ =	strace s4  }
0x9b: {  	s4 =	sld [smem:$0x3FFD];
	_ =	sdelay $0x3  }
0x9c: {  	_ =	strace s4  }
0x9d: {  	_ =	strace $0x8FFFFFFF  }
0x9e: {  	s19 =	sld [smem:$0x3FDB];
	_ =	sdelay $0x1  }
0x9f: {  	s5 =	simm.s32 $_scs_section_size  }
0xa0: {  	s6 =	simm.s32 $_size__tile_overlayer_lowered;
	s7 =	simm.s32 $_tile_overlayer_lowered  }
0xa1: {  	s22 =	simm.s32 $0x1BFF;
	s21 =	sshll.u32 s7, $0x1;
	s4 =	sadd.s32 s5, s19  }
0xa2: {  	s8 =	simm.s32 $0x0;
	s20 =	sshll.u32 s6, $0x1;
	s6 =	sadd.s32 s21, s4  }
0xa3: {  	[timem:s8], [sflag:s22] =	dma.local [hbm:s6], s20  }
0xa4: {  	_ =	swait.ge [sflag:s22], s20  }
0xa5: {  	s5 =	ssub.s32 $0x0, s20;
	[sflag:s22] =	ssyncset.done $0x0  }
0xa6: {  	[sflag:s22] =	ssyncadd.s32 s5;
	_ =	sdelay $0x1  }
0xa7: {  	s23 =	simm.s32 $0x1B8B  }
0xa8: {  	_ =	swait.ge [sflag:s23], $0x1  }
0xa9: {  	[sflag:s23] =	ssyncset.done $0x0  }
0xaa: {  	s25 =	simm.s32 $0x1B8E;
	s24 =	sld [smem:$0x3FFE];
	[sflag:s23] =	ssyncadd.s32 $0xFFFFFFFF  }
0xab: {  	s26 =	simm.s32 $execute0_lowered;
	[smem:$0x3FD2] =	sst s25  }
0xac: {  	s6 =	sshll.u32 s26, $0x1;
	_ =	strace $0x80000046;
	[dreg:$0x1] =	wrdreg $0xFFFFFFFF  }
0xad: {  	s28 =	simm.s32 $_size_execute0_lowered;
	s4 =	sadd.s32 s4, s6;
	[dreg:$0x0] =	wrdreg $0x0  }
0xae: {  	s6 =	sshll.u32 s28, $0x1;
	[dreg:$0x2] =	wrdreg s4  }
0xaf: {  	[dreg:$0x3] =	wrdreg s6  }
0xb0: {  	[dreg:$0x4] =	wrdreg $0xC0  }
0xb1: {  	_ =	task [dreg:s8], $0x5FFFF  }
0xb2: {  	[dreg:$0x1] =	wrdreg $0xFFFFFFFF  }
0xb3: {  	[dreg:$0x0] =	wrdreg $0x60  }
0xb4: {  	[dreg:$0x2] =	wrdreg s16  }
0xb5: {  	[dreg:$0x3] =	wrdreg s24  }
0xb6: {  	[dreg:$0x4] =	wrdreg s17  }
0xb7: {  	[dreg:$0x5] =	wrdreg $0x9  }
0xb8: {  	_ =	task.clear_ibuf [dreg:s8], $0x6FFFF;
	_ =	strace $0x90000046  }
0xb9: {  	s29 =	simm.s32 $0x9;
	_ =	strace $0x80000048  }
0xba: {  	_ =	swait.ge [sflag:s29], $0x1  }
0xbb: {  	[sflag:s29] =	ssyncadd.s32 $0xFFFFFFFF  }
0xbc: {  	_ =	strace $0x90000048  }
0xbd: {  	_ =	sfence  }
0xbe: {  	s30 =	sld [smem:$0x0];
	_ =	sdelay $0x2  }
0xbf: {  	s31 =	sshll.u32 s1, $0xD;
	s1 =	sshrl.u32 s1, $0x2  }
0xc0: {  	s3 =	sand.u32 $0x4000, s31;
	s1 =	sadd.s32 s1, s30  }
0xc1: {  	s0 =	sor.u32 s3, s0;
	s1 =	sshll.u32 s1, $0x11  }
0xc2: {  	s0 =	sor.u32 s1, s0  }
0xc3: {  	s0 =	sadd.s32 $0x8F2B, s0  }
0xc4: {  	[sflag:s0] =	ssyncadd.remote.s32 $0x1  }
0xc5: {  	_ =	sfence.sel $0xFFFF  }
0xc6: {  	[dreg:$0x0] =	wrdreg $0xFFFFFFFF;
	(pc) =	sbr.abs _section_cstart, $3  }
0xc7: {  	[dreg:$0x1] =	wrdreg $0xFFFFFFFF  }
0xc8: {  	_ =	task.clear_ibuf [dreg:s8], $0x2FFFF;
	_ =	strace $0x9FFFFFFF  }
0xc9: {  	(tm) =	ssettm $0x7FFFFFFF  }
tec
execute0_lowered:
.L_overlay_start_1:
0x0: {  	(tag) =	ssettag $0x1  }
0x1: {  	s3 =	rddreg [dreg:$0x0]  }
0x2: {  	s4 =	rddreg [dreg:$0x1]  }
0x3: {  	s6 =	rddreg [dreg:$0x2]  }
0x4: {  	s0 =	rddreg [dreg:$0x3];
	s5 =	srdreg.scid  }
0x5: {  	s2 =	simm.s32 $0x0;
	s1 =	stileid.u32;
	s10 =	simm.s32 $0x1  }
0x6: {  	s11 =	simm.s32 $0x2000;
	s12 =	simm.s32 $0x4000;
	s13 =	simm.s32 $0x5000  }
0x7: {  	s14 =	simm.s32 $0x0;
	s5 =	sand.u32 $0x1, s5;
	s7 =	sshll.u32 s1, $0xA  }
0x8: {  	[smem:$0x7FF] =	sst s2;
	s8 =	sshll.u32 s5, $0x9;
	s5 =	ssub.s32 $0x2, s5  }
0x9: {  	_ =	strace $0x80000047;
	s7 =	sor.u32 s8, s7;
	s31 =	sshrl.u32 s5, $0x1  }
0xa: {  	s9 =	sadd.s32 s7, s4;
	s8 =	ssub.s32 s5, s31;
	s3 =	sadd.s32 s3, s7  }
0xb: {  	s6 =	sadd.s32 s6, s7;
	s4 =	sadd.s32 $0x4C00, s9;
	s5 =	sadd.s32 $0xC00, s9  }
0xc: {  	v0 =	vimm.s32 $0x0;
	v1 =	vimm.f32 $0.0e+00;
	s7 =	smax.u32 s8, $0x1;
	s8 =	simm.s32 $0x1000;
	s9 =	simm.s32 $0x20000  }
.LBB2_1:
0xd: {  	[tilespmem:s2], [sflag:$0x1] =	stream.strided.gather [hbm4b:s3+s8], $0x2000, s9, s8, $0x38;
	[tilespmem:$0x9000] =	vst v63  }
0xe: {  	_ =	swait.ge [sflag:s10], $0x2000  }
0xf: {  	[sflag:s10] =	ssyncset.done $0x0  }
0x10: {  	s15 =	simm.s32 $0x0;
	s16 =	simm.s32 $0x0;
	[sflag:s10] =	ssyncadd.s32 $0xFFFFE000  }
.LBB2_2:
0x11: {  	s17 =	sand.u32 $0x70, s16;
	s18 =	sand.u32 $0xC00, s15  }
0x12: {  	s17 =	sor.u32 s17, s18  }
0x13: {  	v3 =	vld [tilespmem:s17+$0x0]  }
0x14: {  	v4 =	vld [tilespmem:s17+$0x80]  }
0x15: {  	s30 =	sand.u32 $0xFFFFFC00, s15  }
0x16: {  	s20 =	sadd.s32 s30, s16;
	v5 =	vld [tilespmem:s17+$0x100]  }
0x17: {  	s18 =	sor.u32 $0x180, s20  }
0x18: {  	v6 =	vld [tilespmem:s18+$0x0]  }
0x19: {  	vm0 =	vgt.f32 v4, v3  }
0x1a: {  	v7 =	vld [tilespmem:s17+$0x200];
	v2 =	vsel vm0, v4, v3  }
0x1b: {  	vm1 =	vgt.f32 v5, v2  }
0x1c: {  	v8 =	vld [tilespmem:s17+$0x280];
	v2 =	vsel vm1, v5, v2  }
0x1d: {  	vm2 =	vgt.f32 v6, v2  }
0x1e: {  	s22 =	sor.u32 s16, s15;
	v9 =	vld [tilespmem:s17+$0x300];
	v2 =	vsel vm2, v6, v2  }
0x1f: {  	s19 =	sor.u32 $0x380, s22;
	vm3 =	vgt.f32 v7, v2  }
0x20: {  	v10 =	vld [tilespmem:s19+$0x0];
	v2 =	vsel vm3, v7, v2  }
0x21: {  	vm4 =	vgt.f32 v8, v2  }
0x22: {  	v11 =	vld [tilespmem:s17+$0x1000];
	v2 =	vsel vm4, v8, v2  }
0x23: {  	vm5 =	vgt.f32 v9, v2  }
0x24: {  	v12 =	vld [tilespmem:s17+$0x1080];
	v2 =	vsel vm5, v9, v2  }
0x25: {  	vm6 =	vgt.f32 v10, v2  }
0x26: {  	v13 =	vld [tilespmem:s17+$0x1100];
	v2 =	vsel vm6, v10, v2  }
0x27: {  	s21 =	sor.u32 $0x1180, s20;
	vm7 =	vgt.f32 v11, v2  }
0x28: {  	v14 =	vld [tilespmem:s21+$0x0];
	v15 =	vsel vm0, $0x1, v0;
	v2 =	vsel vm7, v11, v2  }
0x29: {  	v15 =	vsel vm1, $0x2, v15;
	vm10 =	vgt.f32 v12, v2  }
0x2a: {  	v16 =	vld [tilespmem:s17+$0x1200];
	v15 =	vsel vm2, $0x3, v15;
	v2 =	vsel vm10, v12, v2  }
0x2b: {  	v15 =	vsel vm3, $0x4, v15;
	vm11 =	vgt.f32 v13, v2  }
0x2c: {  	v17 =	vld [tilespmem:s17+$0x1280];
	v15 =	vsel vm4, $0x5, v15;
	v2 =	vsel vm11, v13, v2  }
0x2d: {  	v15 =	vsel vm5, $0x6, v15;
	vm12 =	vgt.f32 v14, v2  }
0x2e: {  	v18 =	vld [tilespmem:s17+$0x1300];
	v15 =	vsel vm6, $0x7, v15;
	v2 =	vsel vm12, v14, v2  }
0x2f: {  	s31 =	sor.u32 $0x1380, s22;
	v15 =	vsel vm7, $0x8, v15;
	vm13 =	vgt.f32 v16, v2  }
0x30: {  	v19 =	vld [tilespmem:s31+$0x0];
	v15 =	vsel vm10, $0x9, v15;
	v2 =	vsel vm13, v16, v2  }
0x31: {  	v15 =	vsel vm11, $0xA, v15;
	vm14 =	vgt.f32 v17, v2  }
0x32: {  	v15 =	vsel vm12, $0xB, v15;
	v2 =	vsel vm14, v17, v2  }
0x33: {  	v15 =	vsel vm13, $0xC, v15;
	vm15 =	vgt.f32 v18, v2  }
0x34: {  	v15 =	vsel vm14, $0xD, v15;
	v20 =	vsel vm15, v18, v2  }
0x35: {  	v2 =	vsel vm15, $0xE, v15;
	vm4 =	vgt.f32 v19, v20  }
0x36: {  	v2 =	vsel vm4, $0xF, v2  }
0x37: {  	v63 =	vimm.s32 $0x0;
	vm15 =	veq.s32 v2, $0x0  }
0x38: {  	v21 =	vimm.s32 $0x0;
	v22 =	vimm.s32 $0x0;
	v3 =	vsel vm15, $0xFF800000, v3  }
0x39: {  	v23 =	vimm.s32 $0x0;
	vm6 =	veq.s32 v2, $0x1;
	vm5 =	vgt.f32 v3, $-Inf  }
0x3a: {  	v25 =	vimm.s32 $0x0;
	v4 =	vsel vm6, $0xFF800000, v4;
	v3 =	vnsel vm5, $0xFF800000, v3  }
0x3b: {  	v27 =	vimm.s32 $0x0;
	vm7 =	veq.s32 v2, $0x2;
	vm1 =	vgt.f32 v4, v3  }
0x3c: {  	v29 =	vimm.s32 $0x0;
	v24 =	vsel vm7, $0xFF800000, v5;
	v3 =	vsel vm1, v4, v3  }
0x3d: {  	v31 =	vimm.s32 $0x0;
	vm8 =	veq.s32 v2, $0x3;
	vm13 =	vgt.f32 v24, v3  }
0x3e: {  	v33 =	vimm.s32 $0x0;
	v26 =	vsel vm8, $0xFF800000, v6;
	v3 =	vsel vm13, v24, v3  }
0x3f: {  	v35 =	vimm.s32 $0x0;
	vm9 =	veq.s32 v2, $0x4;
	vm12 =	vgt.f32 v26, v3  }
0x40: {  	v37 =	vimm.s32 $0x0;
	v28 =	vsel vm9, $0xFF800000, v7;
	v3 =	vsel vm12, v26, v3  }
0x41: {  	vm10 =	veq.s32 v2, $0x5;
	v5 =	vsel vm8, $0xFFFFFFFF, v25;
	vm11 =	vgt.f32 v28, v3  }
0x42: {  	v30 =	vsel vm10, $0xFF800000, v8;
	[tilespmem:$0x1FF30] =	vst v5;
	v5 =	vsel vm9, $0xFFFFFFFF, v27;
	v3 =	vsel vm11, v28, v3  }
0x43: {  	vm14 =	veq.s32 v2, $0x6;
	[tilespmem:$0x1FF40] =	vst v5;
	v5 =	vsel vm10, $0xFFFFFFFF, v29;
	vm10 =	vgt.f32 v30, v3  }
0x44: {  	v15 =	vsel vm4, $0xFFFFFFFF, v63;
	v32 =	vsel vm14, $0xFF800000, v9;
	v3 =	vsel vm10, v30, v3  }
0x45: {  	[tilespmem:$0x1FEF0] =	vst v15;
	vm4 =	veq.s32 v2, $0x7;
	v15 =	vsel vm6, $0xFFFFFFFF, v21;
	vm9 =	vgt.f32 v32, v3  }
0x46: {  	v34 =	vsel vm4, $0xFF800000, v10;
	vm6 =	veq.s32 v2, $0x9;
	[tilespmem:$0x1FF10] =	vst v15;
	v3 =	vsel vm9, v32, v3  }
0x47: {  	vm5 =	veq.s32 v2, $0x8;
	[tilespmem:$0x1FF50] =	vst v5;
	v5 =	vsel vm14, $0xFFFFFFFF, v31;
	vm8 =	vgt.f32 v34, v3  }
0x48: {  	v36 =	vsel vm5, $0xFF800000, v11;
	v15 =	vsel vm1, $0xFFFFFFFF, v22;
	[tilespmem:$0x1FF60] =	vst v5;
	v3 =	vsel vm8, v34, v3  }
0x49: {  	v5 =	vsel vm4, $0xFFFFFFFF, v33;
	[tilespmem:$0x1FF00] =	vst v15;
	v15 =	vsel vm7, $0xFFFFFFFF, v23;
	vm7 =	vgt.f32 v36, v3  }
0x4a: {  	v38 =	vsel vm6, $0xFF800000, v12;
	[tilespmem:$0x1FF70] =	vst v5;
	v5 =	vsel vm5, $0xFFFFFFFF, v35;
	v3 =	vsel vm7, v36, v3  }
0x4b: {  	vm14 =	veq.s32 v2, $0xA;
	[tilespmem:$0x1FF80] =	vst v5;
	v5 =	vsel vm6, $0xFFFFFFFF, v37;
	vm6 =	vgt.f32 v38, v3  }
0x4c: {  	v39 =	vimm.s32 $0x0;
	v40 =	vsel vm14, $0xFF800000, v13;
	v3 =	vsel vm6, v38, v3  }
0x4d: {  	v41 =	vimm.s32 $0x0;
	vm4 =	veq.s32 v2, $0xB;
	vm5 =	vgt.f32 v40, v3  }
0x4e: {  	v42 =	vsel vm4, $0xFF800000, v14;
	[tilespmem:$0x1FF90] =	vst v5;
	v5 =	vsel vm14, $0xFFFFFFFF, v39;
	v3 =	vsel vm5, v40, v3  }
0x4f: {  	vm14 =	veq.s32 v2, $0xC;
	[tilespmem:$0x1FFA0] =	vst v5;
	v5 =	vsel vm4, $0xFFFFFFFF, v41;
	vm4 =	vgt.f32 v42, v3  }
0x50: {  	v43 =	vimm.s32 $0x0;
	v44 =	vsel vm14, $0xFF800000, v16;
	v3 =	vsel vm4, v42, v3  }
0x51: {  	[tilespmem:$0x1FFB0] =	vst v5;
	v5 =	vsel vm14, $0xFFFFFFFF, v43;
	vm14 =	veq.s32 v2, $0xD;
	vm3 =	vgt.f32 v44, v3  }
0x52: {  	v45 =	vimm.s32 $0x0;
	v46 =	vsel vm14, $0xFF800000, v17;
	v3 =	vsel vm3, v44, v3  }
0x53: {  	[tilespmem:$0x1FFC0] =	vst v5;
	v5 =	vsel vm14, $0xFFFFFFFF, v45;
	vm14 =	veq.s32 v2, $0xE;
	vm2 =	vgt.f32 v46, v3  }
0x54: {  	v48 =	vsel vm14, $0xFF800000, v18;
	v3 =	vsel vm2, v46, v3  }
0x55: {  	vm1 =	vgt.f32 v48, v3  }
0x56: {  	v4 =	vsel vm1, v48, v3;
	v3 =	vld [tilespmem:$0x1FEF0];
	_ =	sdelay $0x1  }
0x57: {  	v47 =	vimm.s32 $0x0  }
0x58: {  	[tilespmem:$0x1FFD0] =	vst v5;
	v5 =	vsel vm14, $0xFFFFFFFF, v47;
	vm14 =	veq.s32 v2, $0xF  }
0x59: {  	v49 =	vimm.s32 $0x0;
	v50 =	vsel vm14, $0xFF800000, v19  }
0x5a: {  	[tilespmem:$0x1FFE0] =	vst v5;
	v5 =	vsel vm14, $0xFFFFFFFF, v49;
	vm0 =	vgt.f32 v50, v4;
	vm14 =	vnez.u8 v3  }
0x5b: {  	v4 =	vsel vm0, v50, v4;
	v3 =	vsel vm14, v19, v20  }
0x5c: {  	[tilespmem:$0x1FFF0] =	vst v5;
	v5 =	vsub.f32 v4, v3;
	_ =	sdelay $0x1  }
0x5d: {  	v5 =	vmul.f32 $1.442695020e+00, v5;
	_ =	sdelay $0x1  }
0x5e: {  	v51 =	vld [tilespmem:$0x1FF00];
	(erf) = vpow2.f32 v5;
	_ =	sdelay $0x4  }
0x5f: {  	vm14 =	vnez.u8 v51  }
0x60: {  	v5 =	vsel vm14, $0x1, v0  }
0x61: {  	v5 =	vsel vm13, $0x2, v5  }
0x62: {  	v5 =	vsel vm12, $0x3, v5  }
0x63: {  	v5 =	vsel vm11, $0x4, v5;
	v52 =	vpop (erf)  }
0x64: {  	v5 =	vsel vm10, $0x5, v5;
	v53 =	vadd.f32 $1.000000000e+00, v52  }
0x65: {  	v5 =	vsel vm9, $0x6, v5  }
0x66: {  	v5 =	vsel vm8, $0x7, v5;
	(erf) = vrcp.f32 v53  }
0x67: {  	[tilespmem:$0x1FF20] =	vst v15;
	v5 =	vsel vm7, $0x8, v5  }
0x68: {  	v62 =	vld [tilespmem:$0x1FF20];
	v5 =	vsel vm6, $0x9, v5  }
0x69: {  	v58 =	vld [tilespmem:$0x1FF10];
	v5 =	vsel vm5, $0xA, v5  }
0x6a: {  	v5 =	vsel vm4, $0xB, v5  }
0x6b: {  	v5 =	vsel vm3, $0xC, v5  }
0x6c: {  	v5 =	vsel vm2, $0xD, v5  }
0x6d: {  	v55 =	vsel vm15, $0x3F800000, v1;
	vm13 =	vnez.u8 v62;
	v5 =	vsel vm1, $0xE, v5  }
0x6e: {  	[tilespmem:s17+$0x5000] =	vst v55;
	v63 =	vsel vm13, $0x3F800000, v1;
	vm11 =	vnez.u8 v58;
	v5 =	vsel vm0, $0xF, v5  }
0x6f: {  	[tilespmem:s17+$0x5100] =	vst v63;
	v59 =	vsel vm11, $0x3F800000, v1;
	vm0 =	veq.s32 v5, $0x0;
	v7 =	vpop (erf)  }
0x70: {  	v14 =	vld [tilespmem:$0x1FF30];
	[tilespmem:s17+$0x5080] =	vst v59;
	vm10 =	veq.s32 v5, $0x1;
	v56 =	vsel vm0, $0x3F800000, v1;
	v6 =	vmul.f32 v7, v52  }
0x71: {  	vm12 =	veq.s32 v5, $0x2;
	v60 =	vsel vm10, $0x3F800000, v1;
	[tilespmem:s17+$0x7000] =	vst v56  }
0x72: {  	v12 =	vsel vm12, $0x3F800000, v1;
	[tilespmem:s17+$0x7080] =	vst v60;
	v54 =	vnsel vm0, $0x0, v6  }
0x73: {  	v18 =	vld [tilespmem:$0x1FF40];
	[tilespmem:s17+$0x7100] =	vst v12;
	v57 =	vnsel vm10, $0x0, v6;
	v8 =	vsel vm15, v7, v54  }
0x74: {  	vm14 =	veq.s32 v5, $0x3;
	v61 =	vnsel vm12, $0x0, v6;
	[tilespmem:s17+$0x2000] =	vst v8;
	v8 =	vsel vm11, v7, v57  }
0x75: {  	v13 =	vnsel vm14, $0x0, v6;
	vm15 =	vnez.u8 v14;
	[tilespmem:s17+$0x2080] =	vst v8;
	v8 =	vsel vm13, v7, v61  }
0x76: {  	v22 =	vld [tilespmem:$0x1FF50];
	[tilespmem:s17+$0x2100] =	vst v8;
	v8 =	vsel vm15, v7, v13  }
0x77: {  	vm4 =	veq.s32 v5, $0x4;
	v15 =	vsel vm15, $0x3F800000, v1;
	[tilespmem:s18+$0x2000] =	vst v8  }
0x78: {  	v26 =	vld [tilespmem:$0x1FF60];
	vm5 =	vnez.u8 v18;
	v16 =	vsel vm14, $0x3F800000, v1;
	v17 =	vnsel vm4, $0x0, v6;
	[tilespmem:s18+$0x5000] =	vst v15  }
0x79: {  	v8 =	vsel vm5, v7, v17;
	[tilespmem:s17+$0x7180] =	vst v16  }
0x7a: {  	v19 =	vsel vm5, $0x3F800000, v1;
	[tilespmem:s17+$0x2200] =	vst v8  }
0x7b: {  	vm7 =	vnez.u8 v22;
	v20 =	vsel vm4, $0x3F800000, v1;
	[tilespmem:s17+$0x5200] =	vst v19  }
0x7c: {  	v30 =	vld [tilespmem:$0x1FF70];
	v23 =	vsel vm7, $0x3F800000, v1;
	vm6 =	veq.s32 v5, $0x5;
	[tilespmem:s17+$0x7200] =	vst v20  }
0x7d: {  	vm9 =	vnez.u8 v26;
	v24 =	vsel vm6, $0x3F800000, v1;
	[tilespmem:s17+$0x5280] =	vst v23  }
0x7e: {  	v27 =	vsel vm9, $0x3F800000, v1;
	vm8 =	veq.s32 v5, $0x6;
	[tilespmem:s17+$0x7280] =	vst v24  }
0x7f: {  	v34 =	vld [tilespmem:$0x1FF80];
	v28 =	vsel vm8, $0x3F800000, v1;
	v21 =	vnsel vm6, $0x0, v6;
	[tilespmem:s17+$0x5300] =	vst v27  }
0x80: {  	v25 =	vnsel vm8, $0x0, v6;
	vm10 =	veq.s32 v5, $0x7;
	v8 =	vsel vm7, v7, v21;
	[tilespmem:s17+$0x7300] =	vst v28  }
0x81: {  	v29 =	vnsel vm10, $0x0, v6;
	vm11 =	vnez.u8 v30;
	[tilespmem:s17+$0x2280] =	vst v8;
	v8 =	vsel vm9, v7, v25  }
0x82: {  	v38 =	vld [tilespmem:$0x1FF90];
	[tilespmem:s17+$0x2300] =	vst v8;
	v8 =	vsel vm11, v7, v29  }
0x83: {  	vm12 =	veq.s32 v5, $0x8;
	v31 =	vsel vm11, $0x3F800000, v1;
	[tilespmem:s19+$0x2000] =	vst v8  }
0x84: {  	v42 =	vld [tilespmem:$0x1FFA0];
	v32 =	vsel vm10, $0x3F800000, v1;
	v33 =	vnsel vm12, $0x0, v6;
	vm13 =	vnez.u8 v34;
	[tilespmem:s19+$0x5000] =	vst v31  }
0x85: {  	v8 =	vsel vm13, v7, v33;
	[tilespmem:s17+$0x7380] =	vst v32  }
0x86: {  	v35 =	vsel vm13, $0x3F800000, v1;
	[tilespmem:s17+$0x3000] =	vst v8  }
0x87: {  	v36 =	vsel vm12, $0x3F800000, v1;
	vm15 =	vnez.u8 v38;
	[tilespmem:s17+$0x6000] =	vst v35  }
0x88: {  	v46 =	vld [tilespmem:$0x1FFB0];
	vm14 =	veq.s32 v5, $0x9;
	v39 =	vsel vm15, $0x3F800000, v1;
	[tilespmem:s17+$0x8000] =	vst v36  }
0x89: {  	v40 =	vsel vm14, $0x3F800000, v1;
	vm5 =	vnez.u8 v42;
	[tilespmem:s17+$0x6080] =	vst v39  }
0x8a: {  	vm4 =	veq.s32 v5, $0xA;
	v43 =	vsel vm5, $0x3F800000, v1;
	[tilespmem:s17+$0x8080] =	vst v40  }
0x8b: {  	v50 =	vld [tilespmem:$0x1FFC0];
	v37 =	vnsel vm14, $0x0, v6;
	v44 =	vsel vm4, $0x3F800000, v1;
	[tilespmem:s17+$0x6100] =	vst v43  }
0x8c: {  	vm6 =	veq.s32 v5, $0xB;
	v41 =	vnsel vm4, $0x0, v6;
	v8 =	vsel vm15, v7, v37;
	[tilespmem:s17+$0x8100] =	vst v44  }
0x8d: {  	v45 =	vnsel vm6, $0x0, v6;
	vm7 =	vnez.u8 v46;
	[tilespmem:s17+$0x3080] =	vst v8;
	v8 =	vsel vm5, v7, v41  }
0x8e: {  	v54 =	vld [tilespmem:$0x1FFD0];
	[tilespmem:s17+$0x3100] =	vst v8;
	v8 =	vsel vm7, v7, v45  }
0x8f: {  	vm8 =	veq.s32 v5, $0xC;
	v47 =	vsel vm7, $0x3F800000, v1;
	[tilespmem:s21+$0x2000] =	vst v8  }
0x90: {  	v58 =	vld [tilespmem:$0x1FFE0];
	v48 =	vsel vm6, $0x3F800000, v1;
	v49 =	vnsel vm8, $0x0, v6;
	vm9 =	vnez.u8 v50;
	[tilespmem:s21+$0x5000] =	vst v47  }
0x91: {  	v8 =	vsel vm9, v7, v49;
	[tilespmem:s17+$0x8180] =	vst v48  }
0x92: {  	v51 =	vsel vm9, $0x3F800000, v1;
	[tilespmem:s17+$0x3200] =	vst v8  }
0x93: {  	v52 =	vsel vm8, $0x3F800000, v1;
	vm11 =	vnez.u8 v54;
	[tilespmem:s17+$0x6200] =	vst v51  }
0x94: {  	vm10 =	veq.s32 v5, $0xD;
	v61 =	vld [tilespmem:$0x1FFF0];
	v55 =	vsel vm11, $0x3F800000, v1;
	[tilespmem:s17+$0x8200] =	vst v52  }
0x95: {  	v56 =	vsel vm10, $0x3F800000, v1;
	vm13 =	vnez.u8 v58;
	[tilespmem:s17+$0x6280] =	vst v55  }
0x96: {  	vm12 =	veq.s32 v5, $0xE;
	v59 =	vsel vm13, $0x3F800000, v1;
	[tilespmem:s17+$0x8280] =	vst v56  }
0x97: {  	v53 =	vnsel vm10, $0x0, v6;
	v60 =	vsel vm12, $0x3F800000, v1;
	[tilespmem:s17+$0x6300] =	vst v59  }
0x98: {  	vm14 =	veq.s32 v5, $0xF;
	v57 =	vnsel vm12, $0x0, v6;
	v8 =	vsel vm11, v7, v53;
	[tilespmem:s17+$0x8300] =	vst v60  }
0x99: {  	v6 =	vnsel vm14, $0x0, v6;
	vm15 =	vnez.u8 v61;
	[tilespmem:s17+$0x3280] =	vst v8;
	v8 =	vsel vm13, v7, v57  }
0x9a: {  	v6 =	vsel vm15, v7, v6;
	[tilespmem:s17+$0x3300] =	vst v8  }
0x9b: {  	v62 =	vsel vm15, $0x3F800000, v1;
	[tilespmem:s31+$0x2000] =	vst v6  }
0x9c: {  	v63 =	vsel vm14, $0x3F800000, v1;
	[tilespmem:s31+$0x5000] =	vst v62  }
0x9d: {  	[tilespmem:s17+$0x8380] =	vst v63  }
0x9e: {  	[tilespmem:s17+$0x4000] =	vst v3  }
0x9f: {  	[tilespmem:s17+$0x4080] =	vst v4  }
0xa0: {  	p0 =	sne.s32 s16, $0x1F0;
	[tilespmem:s17+$0x4100] =	vst v2  }
.Ltmp0:
0xa1: {  	[tilespmem:s18+$0x4000] =	vst v5;
	(pc) =	sbr.rel @p0 .LBB2_2-.Ltmp0, $4  }
0xa2: {  	[tilespmem:s17+$0x4200] =	vst v1  }
0xa3: {  	[tilespmem:s17+$0x4280] =	vst v1  }
0xa4: {  	[tilespmem:s17+$0x4300] =	vst v1  }
0xa5: {  	s15 =	sadd.s32 $0x80, s15;
	s16 =	sadd.s32 $0x10, s16;
	[tilespmem:s19+$0x4000] =	vst v1  }
0xa6: {  	[hbm4b:s4+s8] =	stream.strided.scatter [tilespmem:s11], [sflag:$0x1], $0x2000, s9, s8, $0x38;
	[tilespmem:$0x9000] =	vst v63  }
0xa7: {  	_ =	swait.ge [sflag:s10], $0x2000  }
0xa8: {  	[sflag:s10] =	ssyncset.done $0x0  }
0xa9: {  	[sflag:s10] =	ssyncadd.s32 $0xFFFFE000  }
0xaa: {  	[hbm4b:s5+s2] =	stream.linear.scatter [tilespmem:s12], [sflag:$0x1], $0x1000, $0x38;
	[tilespmem:$0x9000] =	vst v63  }
0xab: {  	s14 =	sadd.s32 $0x1, s14;
	_ =	swait.ge [sflag:s10], $0x1000  }
0xac: {  	p0 =	sne.s32 s14, s7;
	[sflag:s10] =	ssyncset.done $0x0  }
.Ltmp1:
0xad: {  	[sflag:s10] =	ssyncadd.s32 $0xFFFFF000;
	(pc) =	sbr.rel @p0 .LBB2_1-.Ltmp1, $4  }
0xae: {  	[hbm4b:s6+s8] =	stream.strided.scatter [tilespmem:s13], [sflag:$0x1], $0x4000, s9, s8, $0x38;
	[tilespmem:$0x9000] =	vst v63  }
0xaf: {  	_ =	swait.ge [sflag:s10], $0x4000  }
0xb0: {  	[sflag:s10] =	ssyncset.done $0x0  }
0xb1: {  	[sflag:s10] =	ssyncadd.s32 $0xFFFFC000  }
0xb2: {  	_ =	sfence.sel $0x180000  }
0xb3: {  	[bflag:$0x0] =	sbarrier.arrive $0xFFFF  }
0xb4: {  	p0 =	sne.s32 s1, $0x0;
	_ =	strace $0x90000047  }
0xb5: {  	s0 =	sadd.s32 @!p0 $0x100000, s0;
	[bflag:$0x2] =	sbarrier.arrive $0xFFFF  }
0xb6: {  	[sflag:s0] =	ssyncadd.tile.s32 @!p0 $0x1;
	_ =	shalt  }
.Lfunc_end2:
_tile_overlayer_lowered:
.L_overlay_start_2:
0xb7: {  	(tag) =	ssettag $0x2  }
0xb8: {  	s0 =	rddreg [dreg:$0x0];
	s2 =	stileid.u32  }
0xb9: {  	s1 =	rddreg [dreg:$0x1];
	p0 =	sne.s32 s2, $0x0  }
0xba: {  	s3 =	rddreg [dreg:$0x2];
	[bflag:$0x3] =	sbarrier.arrive $0xFFFF;
	s2 =	simm.s32 @!p0 $0x1C01  }
0xbb: {  	[timem:s3], [sflag:s2] =	dma.local @!p0 [hbm:s0], s1  }
0xbc: {  	s0 =	simm.s32 @!p0 $0x1  }
0xbd: {  	_ =	swait.ge @!p0 [sflag:s0], s1  }
0xbe: {  	s1 =	ssub.s32 @!p0 $0x0, s1;
	[sflag:s0] =	ssyncset.done @!p0 $0x0  }
0xbf: {  	[sflag:s0] =	ssyncadd.s32 @!p0 s1  }
0xc0: {  	[bflag:$0x3] =	sbarrier.arrive $0xFFFF  }
0xc1: {  	_ =	shalt  }

</sc_bundles>
